<compile_context>
chip_gen: v7x
topology: tpu7x:2x2x1
jax: 0.10.2.dev20260603
libtpu: 0.0.44.dev20260713+nightly
codegen_flags: <defaults>
</compile_context>

<pallas_src>
import functools

import jax
import jax.numpy as jnp
from jax import lax
from jax.experimental import pallas as pl
from jax.experimental.pallas import tpu as pltpu
from jax.experimental.pallas import tpu_sc as plsc

DIMS = 8
KC = 512
NG = 4
B = 8
HW = 1024
BPS = 4
SC_CORES = 2
LOGVAR_MIN, LOGVAR_MAX = -30.0, 20.0
KL_SCALE = 1.4426 * 0.5


def _tc_body(prior_ref, z_ref, idx_ref, kl_ref):
    prior = prior_ref[...]
    w0 = jnp.concatenate([0.5 * prior * prior, prior], axis=1)
    part = jnp.float32(0.0)
    for b2 in range(BPS):
        zb = z_ref[b2]
        mu = zb[:NG * DIMS, :]
        lv = jnp.clip(zb[NG * DIMS:, :], LOGVAR_MIN, LOGVAR_MAX)
        iv = jnp.exp(-lv)
        a = 1.0 - iv
        bb = mu * iv
        for g in range(NG):
            fg = jnp.concatenate([a[g * DIMS:(g + 1) * DIMS, :],
                                  bb[g * DIMS:(g + 1) * DIMS, :]], axis=0)
            sg = jax.lax.dot(w0, fg,
                             precision=jax.lax.Precision.HIGHEST)
            am = jnp.argmax(sg, axis=0).astype(jnp.int32)
            idx_ref[b2, g, :] = am
        var = jnp.exp(lv)
        part = part + jnp.sum(mu * mu + var - 1.0 - lv)

    @pl.when(pl.program_id(0) == 0)
    def _init():
        kl_ref[0, 0] = 0.0

    kl_ref[0, 0] += part * jnp.float32(KL_SCALE / (B * NG * HW))


def _tc_stage(prior, z3):
    return pl.pallas_call(
        _tc_body,
        grid=(B // BPS,),
        in_specs=[
            pl.BlockSpec((KC, DIMS), lambda b: (0, 0)),
            pl.BlockSpec((BPS, 2 * NG * DIMS, HW), lambda b: (b, 0, 0)),
        ],
        out_specs=[
            pl.BlockSpec((BPS, NG, HW), lambda b: (b, 0, 0)),
            pl.BlockSpec((1, 1), lambda b: (0, 0),
                         memory_space=pltpu.SMEM),
        ],
        out_shape=[
            jax.ShapeDtypeStruct((B, NG, HW), jnp.int32),
            jax.ShapeDtypeStruct((1, 1), jnp.float32),
        ],
    )(prior, z3)


@functools.partial(
    pl.kernel,
    mesh=plsc.VectorSubcoreMesh(core_axis_name="c", subcore_axis_name="s"),
    compiler_params=pltpu.CompilerParams(needs_layout_passes=False),
    out_type=jax.ShapeDtypeStruct((B, NG * DIMS, HW), jnp.float32),
    scratch_types=[
        pltpu.VMEM((HW,), jnp.int32),
        pltpu.VMEM((DIMS * KC,), jnp.float32),
        pltpu.VMEM((DIMS, HW), jnp.float32),
        pltpu.SemaphoreType.DMA,
        pltpu.SemaphoreType.DMA,
    ],
)
def _sc_gather(idx_hbm, pt_hbm, out_hbm, idx_v, pt_v, out_v, sem_t, sem_i):
    wid = lax.axis_index("s") * SC_CORES + lax.axis_index("c")
    b = wid // NG
    g = wid % NG
    cp_t = pltpu.async_copy(pt_hbm, pt_v, sem_t)
    cp_i = pltpu.async_copy(idx_hbm.at[b, g], idx_v, sem_i)
    cp_t.wait()
    cp_i.wait()

    def body(j, carry):
        for jj in range(4):
            o = pl.multiple_of(j * 64 + jj * 16, 16)
            code = idx_v[pl.ds(o, 16)]
            for d in range(DIMS):
                vals = plsc.load_gather(pt_v, [code + (d * KC)])
                out_v[d, pl.ds(o, 16)] = vals
        return carry

    lax.fori_loop(0, HW // 64, body, 0)
    pltpu.sync_copy(out_v, out_hbm.at[b, pl.ds(g * DIMS, DIMS)])


def kernel(z, prior_samples):
    z3 = z.reshape(B, 2 * NG * DIMS, HW)
    idx, kl = _tc_stage(prior_samples, z3)
    zhat3 = _sc_gather(idx, prior_samples.T.reshape(DIMS * KC))

    kl_loss = kl[0, 0]
    indices = idx.reshape(B, NG, 32, 32)
    zhat = zhat3.reshape(B, NG * DIMS, 32, 32)
    return zhat, kl_loss, indices

# --- scband reference (transcript-rebuilt; emitter-appended) ---
"""Pipeline reference for scband-gaussian-quant-regularizer2-6992206758165 (READ-ONLY COPY).

The authoritative reference and input builder live on the scoring server;
editing this copy changes nothing except your own understanding.
"""

import jax, jax.numpy as jnp
import numpy as np
import math

DIM = 8
K = 512
TOL = 0.5
BETA = 1.0
LOG_N = int(math.log(K, 2))
LOGVAR_MIN, LOGVAR_MAX = -30.0, 20.0
HALF_LOG_2PI = 0.5 * math.log(2.0 * math.pi)

def setup_inputs(seed: int = 0):
    key = jax.random.key(seed)
    k1, k2 = jax.random.split(key)
    z = jax.random.normal(k1, (8, 64, 32, 32), dtype=jnp.float32)
    prior_samples = jax.random.normal(k2, (K, DIM), dtype=jnp.float32)
    return {"z": z, "prior_samples": prior_samples}

def _forward(z, prior_samples):
    # buffer: standard-normal log-prob of the codebook samples
    normal_log_prob = -0.5 * prior_samples ** 2 - HALF_LOG_2PI
    # ---- quant_gaussian ----
    zm = jnp.moveaxis(z, 1, -1)
    z_shape = zm.shape
    zf = zm.reshape(-1, z_shape[-1])
    codebook_num = zf.shape[-1] // (DIM * 2)
    mu, logvar = jnp.split(zf, 2, axis=-1)
    logvar = jnp.clip(logvar, LOGVAR_MIN, LOGVAR_MAX)
    std = jnp.exp(0.5 * logvar)
    var = jnp.exp(logvar)
    noise = jax.random.normal(jax.random.key(1), mu.shape, dtype=mu.dtype)
    zhat_g = mu + noise * std
    kl2 = 1.4426 * 0.5 * (mu ** 2 + var - 1.0 - logvar)
    kl2 = kl2.reshape(-1, codebook_num, DIM).sum(-1)
    ge = (kl2 > LOG_N + TOL).astype(kl2.dtype) * 1.0  # lam_max init = 1.0
    eq = ((kl2 <= LOG_N + TOL) & (kl2 >= LOG_N - TOL)).astype(kl2.dtype)
    le = (kl2 < LOG_N - TOL).astype(kl2.dtype) * 1.0  # lam_min init = 1.0
    kl_loss = jnp.mean(ge * kl2 + eq * kl2 + le * kl2) * 1.0  # lam init = 1.0
    # ---- quant_vq (under no_grad in torch -> stop_gradient) ----
    mu_q = jax.lax.stop_gradient(mu).reshape(-1, DIM)
    std_q = jax.lax.stop_gradient(std).reshape(-1, DIM)
    prior_sg = jax.lax.stop_gradient(prior_samples)
    nlp_sg = jax.lax.stop_gradient(normal_log_prob)
    n = mu_q.shape[0]
    bs = n // 8
    zhat_chunks = []
    idx_chunks = []
    for i in range(0, n, bs):
        mu_c = mu_q[i:i + bs]
        std_c = std_q[i:i + bs]
        qlp = (-0.5 * ((prior_sg[None, :, :] - mu_c[:, None, :]) / std_c[:, None, :]) ** 2
               - jnp.log(std_c[:, None, :]) - HALF_LOG_2PI)
        log_ratios = qlp - nlp_sg[None, :, :] * BETA
        perturbed = jnp.sum(log_ratios, axis=2)
        am = jnp.argmax(perturbed, axis=1)
        zhat_chunks.append(prior_sg[am])
        idx_chunks.append(am)
    zhat_v = jnp.concatenate(zhat_chunks, axis=0).reshape(-1, codebook_num * DIM).astype(jnp.float32)
    indices = jnp.concatenate(idx_chunks, axis=0).reshape(-1, codebook_num)
    # reshape back
    zhat_g_full = jnp.moveaxis(zhat_g.reshape(*z_shape[:-1], -1), -1, 1)
    zhat_v_full = jnp.moveaxis(zhat_v.reshape(*z_shape[:-1], -1), -1, 1)
    indices = jnp.moveaxis(indices.reshape(*z_shape[:-1], -1), -1, 1)
    # STE: zhat = zhat_g - detach(zhat_g) + zhat_v
    zhat = zhat_g_full - jax.lax.stop_gradient(zhat_g_full) + zhat_v_full
    return zhat, kl_loss, indices

def reference(z, prior_samples):
    return _forward(z, prior_samples)

if __name__ == "__main__":
    import jax
    _d = setup_inputs()
    print(jax.jit(kernel)(*tuple(_d.values())))

</pallas_src>

<mosaic_0001>
#map = affine_map<(d0, d1) -> (0, 0, 0)>
#map1 = affine_map<(d0, d1) -> (0)>
module attributes {stable_mosaic.version = 14 : i64} {
  func.func @_sc_gather(%arg0: i32, %arg1: i32, %arg2: memref<8x4x1024xi32, #tpu.memory_space<hbm>>, %arg3: memref<4096xf32, #tpu.memory_space<hbm>>, %arg4: memref<8x32x1024xf32, #tpu.memory_space<hbm>>, %arg5: memref<1024xi32, #tpu.memory_space<vmem>>, %arg6: memref<4096xf32, #tpu.memory_space<vmem>>, %arg7: memref<8x1024xf32, #tpu.memory_space<vmem>>, %arg8: memref<!tpu.dma_semaphore, #tpu.memory_space<semaphore_mem>>, %arg9: memref<!tpu.dma_semaphore, #tpu.memory_space<semaphore_mem>>) attributes {dimension_semantics = [#tpu.dimension_semantics<core_parallel>, #tpu.dimension_semantics<subcore_parallel>], iteration_bounds = array<i64: 2, 16>, scalar_prefetch = 0 : i64, scratch_operands = 5 : i64, tpu.core_type = #tpu.core_type<sc_vector_subcore>, window_params = [{transform_indices = #map}, {transform_indices = #map1}, {transform_indices = #map}]} {
    %mul3A = arith.constant 2 : i32
    %mul3A_0 = arith.muli %arg1, %mul3A : i32
    %add3A = arith.addi %mul3A_0, %arg0 : i32
    %jit3A = arith.constant 4 : i32
    %div3A = arith.divsi %add3A, %jit3A : i32
    %sign3A = arith.constant 0 : i32
    %sign3A_1 = arith.cmpi sgt, %add3A, %sign3A : i32
    %sign3A_2 = arith.extui %sign3A_1 : i1 to i32
    %sign3A_3 = arith.constant 0 : i32
    %sign3A_4 = arith.cmpi slt, %add3A, %sign3A_3 : i32
    %sign3A_5 = arith.extui %sign3A_4 : i1 to i32
    %sign3A_6 = arith.subi %sign3A_2, %sign3A_5 : i32
    %sign3A_7 = arith.constant 0 : i32
    %sign3A_8 = arith.cmpi sgt, %jit3A, %sign3A_7 : i32
    %sign3A_9 = arith.extui %sign3A_8 : i1 to i32
    %sign3A_10 = arith.constant 0 : i32
    %sign3A_11 = arith.cmpi slt, %jit3A, %sign3A_10 : i32
    %sign3A_12 = arith.extui %sign3A_11 : i1 to i32
    %sign3A_13 = arith.subi %sign3A_9, %sign3A_12 : i32
    %ne3A = arith.cmpi ne, %sign3A_6, %sign3A_13 : i32
    %rem3A = arith.remsi %add3A, %jit3A : i32
    %ne3A_14 = arith.constant 0 : i32
    %ne3A_15 = arith.cmpi ne, %rem3A, %ne3A_14 : i32
    %and3A = arith.andi %ne3A, %ne3A_15 : i1
    %sub3A = arith.constant 1 : i32
    %sub3A_16 = arith.subi %div3A, %sub3A : i32
    %select_n3A = arith.select %and3A, %sub3A_16, %div3A : i32
    %jit3A_17 = arith.constant 4 : i32
    %eq3A = arith.constant 0 : i32
    %eq3A_18 = arith.cmpi eq, %jit3A_17, %eq3A : i32
    %jit3A_19 = arith.constant 1 : i32
    %select_n3A_20 = arith.select %eq3A_18, %jit3A_19, %jit3A_17 : i32
    %rem3A_21 = arith.remsi %add3A, %select_n3A_20 : i32
    %ne3A_22 = arith.constant 0 : i32
    %ne3A_23 = arith.cmpi ne, %rem3A_21, %ne3A_22 : i32
    %lt3A = arith.constant 0 : i32
    %lt3A_24 = arith.cmpi slt, %rem3A_21, %lt3A : i32
    %lt3A_25 = arith.constant 0 : i32
    %lt3A_26 = arith.cmpi slt, %select_n3A_20, %lt3A_25 : i32
    %ne3A_27 = arith.xori %lt3A_24, %lt3A_26 : i1
    %and3A_28 = arith.andi %ne3A_27, %ne3A_23 : i1
    %add3A_29 = arith.addi %rem3A_21, %select_n3A_20 : i32
    %select_n3A_30 = arith.select %and3A_28, %add3A_29, %rem3A_21 : i32
    tpu.enqueue_dma source(%arg3 : memref<4096xf32, #tpu.memory_space<hbm>>) target(%arg6 : memref<4096xf32, #tpu.memory_space<vmem>>) target_semaphore(%arg8 : memref<!tpu.dma_semaphore, #tpu.memory_space<semaphore_mem>>)
    %dma_start3A = arith.constant 0 : i32
    %dma_start3A_31 = tpu.memref_slice %arg2[%select_n3A, %select_n3A_30, %dma_start3A] : memref<8x4x1024xi32, #tpu.memory_space<hbm>> -> memref<1x1x1024xi32, #tpu.memory_space<hbm>>
    %dma_start3A_32 = tpu.memref_squeeze %dma_start3A_31 : memref<1x1x1024xi32, #tpu.memory_space<hbm>> -> memref<1024xi32, #tpu.memory_space<hbm>>
    %dma_start3A_33 = arith.constant 0 : i32
    %dma_start3A_34 = tpu.memref_slice %arg2[%select_n3A, %select_n3A_30, %dma_start3A_33] : memref<8x4x1024xi32, #tpu.memory_space<hbm>> -> memref<1x1x1024xi32, #tpu.memory_space<hbm>>
    %dma_start3A_35 = tpu.memref_squeeze %dma_start3A_34 : memref<1x1x1024xi32, #tpu.memory_space<hbm>> -> memref<1024xi32, #tpu.memory_space<hbm>>
    tpu.enqueue_dma source(%dma_start3A_35 : memref<1024xi32, #tpu.memory_space<hbm>>) target(%arg5 : memref<1024xi32, #tpu.memory_space<vmem>>) target_semaphore(%arg9 : memref<!tpu.dma_semaphore, #tpu.memory_space<semaphore_mem>>)
    tpu.wait_dma2 semaphore(%arg8 : memref<!tpu.dma_semaphore, #tpu.memory_space<semaphore_mem>>) src(%arg3 : memref<4096xf32, #tpu.memory_space<hbm>>) dst(%arg6 : memref<4096xf32, #tpu.memory_space<vmem>>)
    %dma_wait3A = arith.constant 0 : i32
    %dma_wait3A_36 = tpu.memref_slice %arg2[%select_n3A, %select_n3A_30, %dma_wait3A] : memref<8x4x1024xi32, #tpu.memory_space<hbm>> -> memref<1x1x1024xi32, #tpu.memory_space<hbm>>
    %dma_wait3A_37 = tpu.memref_squeeze %dma_wait3A_36 : memref<1x1x1024xi32, #tpu.memory_space<hbm>> -> memref<1024xi32, #tpu.memory_space<hbm>>
    %dma_wait3A_38 = arith.constant 0 : i32
    %dma_wait3A_39 = tpu.memref_slice %arg2[%select_n3A, %select_n3A_30, %dma_wait3A_38] : memref<8x4x1024xi32, #tpu.memory_space<hbm>> -> memref<1x1x1024xi32, #tpu.memory_space<hbm>>
    %dma_wait3A_40 = tpu.memref_squeeze %dma_wait3A_39 : memref<1x1x1024xi32, #tpu.memory_space<hbm>> -> memref<1024xi32, #tpu.memory_space<hbm>>
    tpu.wait_dma2 semaphore(%arg9 : memref<!tpu.dma_semaphore, #tpu.memory_space<semaphore_mem>>) src(%dma_wait3A_40 : memref<1024xi32, #tpu.memory_space<hbm>>) dst(%arg5 : memref<1024xi32, #tpu.memory_space<vmem>>)
    %scan3A = arith.constant 0 : i32
    %scan3A_41 = arith.constant 0 : i32
    %scan3A_42 = arith.constant 16 : i32
    %scan3A_43 = arith.addi %scan3A_41, %scan3A_42 : i32
    %scan3A_44 = arith.constant 1 : i32
    scf.for %scan3A_48 = %scan3A_41 to %scan3A_43 step %scan3A_44  : i32 {
      %mul3A_49 = arith.constant 64 : i32
      %mul3A_50 = arith.muli %scan3A_48, %mul3A_49 : i32
      %add3A_51 = arith.constant 0 : i32
      %add3A_52 = arith.addi %mul3A_50, %add3A_51 : i32
      %multiple_of3A = tpu.assume_multiple %add3A_52, 16 : i32
      %get3A = arith.index_cast %multiple_of3A : i32 to index
      %get3A_53 = tpu.vector_load %arg5[%get3A] {strides = array<i32>} : memref<1024xi32, #tpu.memory_space<vmem>>, vector<16xi32>,
      %add3A_54 = arith.constant 0 : i32
      %add3A_55 = vector.broadcast %add3A_54 : i32 to vector<16xi32>
      %add3A_56 = arith.addi %get3A_53, %add3A_55 : vector<16xi32>
      %gather3A = tpu.vector_load_idx %arg6[%add3A_56] : memref<4096xf32, #tpu.memory_space<vmem>>[vector<16xi32>], vector<16xf32>,
      %swap3A = arith.constant 0 : i32
      %swap3A_57 = arith.index_cast %swap3A : i32 to index
      %swap3A_58 = arith.index_cast %multiple_of3A : i32 to index
      %swap3A_59 = tpu.vector_load %arg7[%swap3A_57, %swap3A_58] {strides = array<i32>} : memref<8x1024xf32, #tpu.memory_space<vmem>>, vector<16xf32>,
      tpu.vector_store %arg7[%swap3A_57, %swap3A_58], %gather3A {strides = array<i32>} : memref<8x1024xf32, #tpu.memory_space<vmem>>, vector<16xf32>,
      %add3A_60 = arith.constant 512 : i32
      %add3A_61 = vector.broadcast %add3A_60 : i32 to vector<16xi32>
      %add3A_62 = arith.addi %get3A_53, %add3A_61 : vector<16xi32>
      %gather3A_63 = tpu.vector_load_idx %arg6[%add3A_62] : memref<4096xf32, #tpu.memory_space<vmem>>[vector<16xi32>], vector<16xf32>,
      %swap3A_64 = arith.constant 1 : i32
      %swap3A_65 = arith.index_cast %swap3A_64 : i32 to index
      %swap3A_66 = arith.index_cast %multiple_of3A : i32 to index
      %swap3A_67 = tpu.vector_load %arg7[%swap3A_65, %swap3A_66] {strides = array<i32>} : memref<8x1024xf32, #tpu.memory_space<vmem>>, vector<16xf32>,
      tpu.vector_store %arg7[%swap3A_65, %swap3A_66], %gather3A_63 {strides = array<i32>} : memref<8x1024xf32, #tpu.memory_space<vmem>>, vector<16xf32>,
      %add3A_68 = arith.constant 1024 : i32
      %add3A_69 = vector.broadcast %add3A_68 : i32 to vector<16xi32>
      %add3A_70 = arith.addi %get3A_53, %add3A_69 : vector<16xi32>
      %gather3A_71 = tpu.vector_load_idx %arg6[%add3A_70] : memref<4096xf32, #tpu.memory_space<vmem>>[vector<16xi32>], vector<16xf32>,
      %swap3A_72 = arith.constant 2 : i32
      %swap3A_73 = arith.index_cast %swap3A_72 : i32 to index
      %swap3A_74 = arith.index_cast %multiple_of3A : i32 to index
      %swap3A_75 = tpu.vector_load %arg7[%swap3A_73, %swap3A_74] {strides = array<i32>} : memref<8x1024xf32, #tpu.memory_space<vmem>>, vector<16xf32>,
      tpu.vector_store %arg7[%swap3A_73, %swap3A_74], %gather3A_71 {strides = array<i32>} : memref<8x1024xf32, #tpu.memory_space<vmem>>, vector<16xf32>,
      %add3A_76 = arith.constant 1536 : i32
      %add3A_77 = vector.broadcast %add3A_76 : i32 to vector<16xi32>
      %add3A_78 = arith.addi %get3A_53, %add3A_77 : vector<16xi32>
      %gather3A_79 = tpu.vector_load_idx %arg6[%add3A_78] : memref<4096xf32, #tpu.memory_space<vmem>>[vector<16xi32>], vector<16xf32>,
      %swap3A_80 = arith.constant 3 : i32
      %swap3A_81 = arith.index_cast %swap3A_80 : i32 to index
      %swap3A_82 = arith.index_cast %multiple_of3A : i32 to index
      %swap3A_83 = tpu.vector_load %arg7[%swap3A_81, %swap3A_82] {strides = array<i32>} : memref<8x1024xf32, #tpu.memory_space<vmem>>, vector<16xf32>,
      tpu.vector_store %arg7[%swap3A_81, %swap3A_82], %gather3A_79 {strides = array<i32>} : memref<8x1024xf32, #tpu.memory_space<vmem>>, vector<16xf32>,
      %add3A_84 = arith.constant 2048 : i32
      %add3A_85 = vector.broadcast %add3A_84 : i32 to vector<16xi32>
      %add3A_86 = arith.addi %get3A_53, %add3A_85 : vector<16xi32>
      %gather3A_87 = tpu.vector_load_idx %arg6[%add3A_86] : memref<4096xf32, #tpu.memory_space<vmem>>[vector<16xi32>], vector<16xf32>,
      %swap3A_88 = arith.constant 4 : i32
      %swap3A_89 = arith.index_cast %swap3A_88 : i32 to index
      %swap3A_90 = arith.index_cast %multiple_of3A : i32 to index
      %swap3A_91 = tpu.vector_load %arg7[%swap3A_89, %swap3A_90] {strides = array<i32>} : memref<8x1024xf32, #tpu.memory_space<vmem>>, vector<16xf32>,
      tpu.vector_store %arg7[%swap3A_89, %swap3A_90], %gather3A_87 {strides = array<i32>} : memref<8x1024xf32, #tpu.memory_space<vmem>>, vector<16xf32>,
      %add3A_92 = arith.constant 2560 : i32
      %add3A_93 = vector.broadcast %add3A_92 : i32 to vector<16xi32>
      %add3A_94 = arith.addi %get3A_53, %add3A_93 : vector<16xi32>
      %gather3A_95 = tpu.vector_load_idx %arg6[%add3A_94] : memref<4096xf32, #tpu.memory_space<vmem>>[vector<16xi32>], vector<16xf32>,
      %swap3A_96 = arith.constant 5 : i32
      %swap3A_97 = arith.index_cast %swap3A_96 : i32 to index
      %swap3A_98 = arith.index_cast %multiple_of3A : i32 to index
      %swap3A_99 = tpu.vector_load %arg7[%swap3A_97, %swap3A_98] {strides = array<i32>} : memref<8x1024xf32, #tpu.memory_space<vmem>>, vector<16xf32>,
      tpu.vector_store %arg7[%swap3A_97, %swap3A_98], %gather3A_95 {strides = array<i32>} : memref<8x1024xf32, #tpu.memory_space<vmem>>, vector<16xf32>,
      %add3A_100 = arith.constant 3072 : i32
      %add3A_101 = vector.broadcast %add3A_100 : i32 to vector<16xi32>
      %add3A_102 = arith.addi %get3A_53, %add3A_101 : vector<16xi32>
      %gather3A_103 = tpu.vector_load_idx %arg6[%add3A_102] : memref<4096xf32, #tpu.memory_space<vmem>>[vector<16xi32>], vector<16xf32>,
      %swap3A_104 = arith.constant 6 : i32
      %swap3A_105 = arith.index_cast %swap3A_104 : i32 to index
      %swap3A_106 = arith.index_cast %multiple_of3A : i32 to index
      %swap3A_107 = tpu.vector_load %arg7[%swap3A_105, %swap3A_106] {strides = array<i32>} : memref<8x1024xf32, #tpu.memory_space<vmem>>, vector<16xf32>,
      tpu.vector_store %arg7[%swap3A_105, %swap3A_106], %gather3A_103 {strides = array<i32>} : memref<8x1024xf32, #tpu.memory_space<vmem>>, vector<16xf32>,
      %add3A_108 = arith.constant 3584 : i32
      %add3A_109 = vector.broadcast %add3A_108 : i32 to vector<16xi32>
      %add3A_110 = arith.addi %get3A_53, %add3A_109 : vector<16xi32>
      %gather3A_111 = tpu.vector_load_idx %arg6[%add3A_110] : memref<4096xf32, #tpu.memory_space<vmem>>[vector<16xi32>], vector<16xf32>,
      %swap3A_112 = arith.constant 7 : i32
      %swap3A_113 = arith.index_cast %swap3A_112 : i32 to index
      %swap3A_114 = arith.index_cast %multiple_of3A : i32 to index
      %swap3A_115 = tpu.vector_load %arg7[%swap3A_113, %swap3A_114] {strides = array<i32>} : memref<8x1024xf32, #tpu.memory_space<vmem>>, vector<16xf32>,
      tpu.vector_store %arg7[%swap3A_113, %swap3A_114], %gather3A_111 {strides = array<i32>} : memref<8x1024xf32, #tpu.memory_space<vmem>>, vector<16xf32>,
      %mul3A_116 = arith.constant 64 : i32
      %mul3A_117 = arith.muli %scan3A_48, %mul3A_116 : i32
      %add3A_118 = arith.constant 16 : i32
      %add3A_119 = arith.addi %mul3A_117, %add3A_118 : i32
      %multiple_of3A_120 = tpu.assume_multiple %add3A_119, 16 : i32
      %get3A_121 = arith.index_cast %multiple_of3A_120 : i32 to index
      %get3A_122 = tpu.vector_load %arg5[%get3A_121] {strides = array<i32>} : memref<1024xi32, #tpu.memory_space<vmem>>, vector<16xi32>,
      %add3A_123 = arith.constant 0 : i32
      %add3A_124 = vector.broadcast %add3A_123 : i32 to vector<16xi32>
      %add3A_125 = arith.addi %get3A_122, %add3A_124 : vector<16xi32>
      %gather3A_126 = tpu.vector_load_idx %arg6[%add3A_125] : memref<4096xf32, #tpu.memory_space<vmem>>[vector<16xi32>], vector<16xf32>,
      %swap3A_127 = arith.constant 0 : i32
      %swap3A_128 = arith.index_cast %swap3A_127 : i32 to index
      %swap3A_129 = arith.index_cast %multiple_of3A_120 : i32 to index
      %swap3A_130 = tpu.vector_load %arg7[%swap3A_128, %swap3A_129] {strides = array<i32>} : memref<8x1024xf32, #tpu.memory_space<vmem>>, vector<16xf32>,
      tpu.vector_store %arg7[%swap3A_128, %swap3A_129], %gather3A_126 {strides = array<i32>} : memref<8x1024xf32, #tpu.memory_space<vmem>>, vector<16xf32>,
      %add3A_131 = arith.constant 512 : i32
      %add3A_132 = vector.broadcast %add3A_131 : i32 to vector<16xi32>
      %add3A_133 = arith.addi %get3A_122, %add3A_132 : vector<16xi32>
      %gather3A_134 = tpu.vector_load_idx %arg6[%add3A_133] : memref<4096xf32, #tpu.memory_space<vmem>>[vector<16xi32>], vector<16xf32>,
      %swap3A_135 = arith.constant 1 : i32
      %swap3A_136 = arith.index_cast %swap3A_135 : i32 to index
      %swap3A_137 = arith.index_cast %multiple_of3A_120 : i32 to index
      %swap3A_138 = tpu.vector_load %arg7[%swap3A_136, %swap3A_137] {strides = array<i32>} : memref<8x1024xf32, #tpu.memory_space<vmem>>, vector<16xf32>,
      tpu.vector_store %arg7[%swap3A_136, %swap3A_137], %gather3A_134 {strides = array<i32>} : memref<8x1024xf32, #tpu.memory_space<vmem>>, vector<16xf32>,
      %add3A_139 = arith.constant 1024 : i32
      %add3A_140 = vector.broadcast %add3A_139 : i32 to vector<16xi32>
      %add3A_141 = arith.addi %get3A_122, %add3A_140 : vector<16xi32>
      %gather3A_142 = tpu.vector_load_idx %arg6[%add3A_141] : memref<4096xf32, #tpu.memory_space<vmem>>[vector<16xi32>], vector<16xf32>,
      %swap3A_143 = arith.constant 2 : i32
      %swap3A_144 = arith.index_cast %swap3A_143 : i32 to index
      %swap3A_145 = arith.index_cast %multiple_of3A_120 : i32 to index
      %swap3A_146 = tpu.vector_load %arg7[%swap3A_144, %swap3A_145] {strides = array<i32>} : memref<8x1024xf32, #tpu.memory_space<vmem>>, vector<16xf32>,
      tpu.vector_store %arg7[%swap3A_144, %swap3A_145], %gather3A_142 {strides = array<i32>} : memref<8x1024xf32, #tpu.memory_space<vmem>>, vector<16xf32>,
      %add3A_147 = arith.constant 1536 : i32
      %add3A_148 = vector.broadcast %add3A_147 : i32 to vector<16xi32>
      %add3A_149 = arith.addi %get3A_122, %add3A_148 : vector<16xi32>
      %gather3A_150 = tpu.vector_load_idx %arg6[%add3A_149] : memref<4096xf32, #tpu.memory_space<vmem>>[vector<16xi32>], vector<16xf32>,
      %swap3A_151 = arith.constant 3 : i32
      %swap3A_152 = arith.index_cast %swap3A_151 : i32 to index
      %swap3A_153 = arith.index_cast %multiple_of3A_120 : i32 to index
      %swap3A_154 = tpu.vector_load %arg7[%swap3A_152, %swap3A_153] {strides = array<i32>} : memref<8x1024xf32, #tpu.memory_space<vmem>>, vector<16xf32>,
      tpu.vector_store %arg7[%swap3A_152, %swap3A_153], %gather3A_150 {strides = array<i32>} : memref<8x1024xf32, #tpu.memory_space<vmem>>, vector<16xf32>,
      %add3A_155 = arith.constant 2048 : i32
      %add3A_156 = vector.broadcast %add3A_155 : i32 to vector<16xi32>
      %add3A_157 = arith.addi %get3A_122, %add3A_156 : vector<16xi32>
      %gather3A_158 = tpu.vector_load_idx %arg6[%add3A_157] : memref<4096xf32, #tpu.memory_space<vmem>>[vector<16xi32>], vector<16xf32>,
      %swap3A_159 = arith.constant 4 : i32
      %swap3A_160 = arith.index_cast %swap3A_159 : i32 to index
      %swap3A_161 = arith.index_cast %multiple_of3A_120 : i32 to index
      %swap3A_162 = tpu.vector_load %arg7[%swap3A_160, %swap3A_161] {strides = array<i32>} : memref<8x1024xf32, #tpu.memory_space<vmem>>, vector<16xf32>,
      tpu.vector_store %arg7[%swap3A_160, %swap3A_161], %gather3A_158 {strides = array<i32>} : memref<8x1024xf32, #tpu.memory_space<vmem>>, vector<16xf32>,
      %add3A_163 = arith.constant 2560 : i32
      %add3A_164 = vector.broadcast %add3A_163 : i32 to vector<16xi32>
      %add3A_165 = arith.addi %get3A_122, %add3A_164 : vector<16xi32>
      %gather3A_166 = tpu.vector_load_idx %arg6[%add3A_165] : memref<4096xf32, #tpu.memory_space<vmem>>[vector<16xi32>], vector<16xf32>,
      %swap3A_167 = arith.constant 5 : i32
      %swap3A_168 = arith.index_cast %swap3A_167 : i32 to index
      %swap3A_169 = arith.index_cast %multiple_of3A_120 : i32 to index
      %swap3A_170 = tpu.vector_load %arg7[%swap3A_168, %swap3A_169] {strides = array<i32>} : memref<8x1024xf32, #tpu.memory_space<vmem>>, vector<16xf32>,
      tpu.vector_store %arg7[%swap3A_168, %swap3A_169], %gather3A_166 {strides = array<i32>} : memref<8x1024xf32, #tpu.memory_space<vmem>>, vector<16xf32>,
      %add3A_171 = arith.constant 3072 : i32
      %add3A_172 = vector.broadcast %add3A_171 : i32 to vector<16xi32>
      %add3A_173 = arith.addi %get3A_122, %add3A_172 : vector<16xi32>
      %gather3A_174 = tpu.vector_load_idx %arg6[%add3A_173] : memref<4096xf32, #tpu.memory_space<vmem>>[vector<16xi32>], vector<16xf32>,
      %swap3A_175 = arith.constant 6 : i32
      %swap3A_176 = arith.index_cast %swap3A_175 : i32 to index
      %swap3A_177 = arith.index_cast %multiple_of3A_120 : i32 to index
      %swap3A_178 = tpu.vector_load %arg7[%swap3A_176, %swap3A_177] {strides = array<i32>} : memref<8x1024xf32, #tpu.memory_space<vmem>>, vector<16xf32>,
      tpu.vector_store %arg7[%swap3A_176, %swap3A_177], %gather3A_174 {strides = array<i32>} : memref<8x1024xf32, #tpu.memory_space<vmem>>, vector<16xf32>,
      %add3A_179 = arith.constant 3584 : i32
      %add3A_180 = vector.broadcast %add3A_179 : i32 to vector<16xi32>
      %add3A_181 = arith.addi %get3A_122, %add3A_180 : vector<16xi32>
      %gather3A_182 = tpu.vector_load_idx %arg6[%add3A_181] : memref<4096xf32, #tpu.memory_space<vmem>>[vector<16xi32>], vector<16xf32>,
      %swap3A_183 = arith.constant 7 : i32
      %swap3A_184 = arith.index_cast %swap3A_183 : i32 to index
      %swap3A_185 = arith.index_cast %multiple_of3A_120 : i32 to index
      %swap3A_186 = tpu.vector_load %arg7[%swap3A_184, %swap3A_185] {strides = array<i32>} : memref<8x1024xf32, #tpu.memory_space<vmem>>, vector<16xf32>,
      tpu.vector_store %arg7[%swap3A_184, %swap3A_185], %gather3A_182 {strides = array<i32>} : memref<8x1024xf32, #tpu.memory_space<vmem>>, vector<16xf32>,
      %mul3A_187 = arith.constant 64 : i32
      %mul3A_188 = arith.muli %scan3A_48, %mul3A_187 : i32
      %add3A_189 = arith.constant 32 : i32
      %add3A_190 = arith.addi %mul3A_188, %add3A_189 : i32
      %multiple_of3A_191 = tpu.assume_multiple %add3A_190, 16 : i32
      %get3A_192 = arith.index_cast %multiple_of3A_191 : i32 to index
      %get3A_193 = tpu.vector_load %arg5[%get3A_192] {strides = array<i32>} : memref<1024xi32, #tpu.memory_space<vmem>>, vector<16xi32>,
      %add3A_194 = arith.constant 0 : i32
      %add3A_195 = vector.broadcast %add3A_194 : i32 to vector<16xi32>
      %add3A_196 = arith.addi %get3A_193, %add3A_195 : vector<16xi32>
      %gather3A_197 = tpu.vector_load_idx %arg6[%add3A_196] : memref<4096xf32, #tpu.memory_space<vmem>>[vector<16xi32>], vector<16xf32>,
      %swap3A_198 = arith.constant 0 : i32
      %swap3A_199 = arith.index_cast %swap3A_198 : i32 to index
      %swap3A_200 = arith.index_cast %multiple_of3A_191 : i32 to index
      %swap3A_201 = tpu.vector_load %arg7[%swap3A_199, %swap3A_200] {strides = array<i32>} : memref<8x1024xf32, #tpu.memory_space<vmem>>, vector<16xf32>,
      tpu.vector_store %arg7[%swap3A_199, %swap3A_200], %gather3A_197 {strides = array<i32>} : memref<8x1024xf32, #tpu.memory_space<vmem>>, vector<16xf32>,
      %add3A_202 = arith.constant 512 : i32
      %add3A_203 = vector.broadcast %add3A_202 : i32 to vector<16xi32>
      %add3A_204 = arith.addi %get3A_193, %add3A_203 : vector<16xi32>
      %gather3A_205 = tpu.vector_load_idx %arg6[%add3A_204] : memref<4096xf32, #tpu.memory_space<vmem>>[vector<16xi32>], vector<16xf32>,
      %swap3A_206 = arith.constant 1 : i32
      %swap3A_207 = arith.index_cast %swap3A_206 : i32 to index
      %swap3A_208 = arith.index_cast %multiple_of3A_191 : i32 to index
      %swap3A_209 = tpu.vector_load %arg7[%swap3A_207, %swap3A_208] {strides = array<i32>} : memref<8x1024xf32, #tpu.memory_space<vmem>>, vector<16xf32>,
      tpu.vector_store %arg7[%swap3A_207, %swap3A_208], %gather3A_205 {strides = array<i32>} : memref<8x1024xf32, #tpu.memory_space<vmem>>, vector<16xf32>,
      %add3A_210 = arith.constant 1024 : i32
      %add3A_211 = vector.broadcast %add3A_210 : i32 to vector<16xi32>
      %add3A_212 = arith.addi %get3A_193, %add3A_211 : vector<16xi32>
      %gather3A_213 = tpu.vector_load_idx %arg6[%add3A_212] : memref<4096xf32, #tpu.memory_space<vmem>>[vector<16xi32>], vector<16xf32>,
      %swap3A_214 = arith.constant 2 : i32
      %swap3A_215 = arith.index_cast %swap3A_214 : i32 to index
      %swap3A_216 = arith.index_cast %multiple_of3A_191 : i32 to index
      %swap3A_217 = tpu.vector_load %arg7[%swap3A_215, %swap3A_216] {strides = array<i32>} : memref<8x1024xf32, #tpu.memory_space<vmem>>, vector<16xf32>,
      tpu.vector_store %arg7[%swap3A_215, %swap3A_216], %gather3A_213 {strides = array<i32>} : memref<8x1024xf32, #tpu.memory_space<vmem>>, vector<16xf32>,
      %add3A_218 = arith.constant 1536 : i32
      %add3A_219 = vector.broadcast %add3A_218 : i32 to vector<16xi32>
      %add3A_220 = arith.addi %get3A_193, %add3A_219 : vector<16xi32>
      %gather3A_221 = tpu.vector_load_idx %arg6[%add3A_220] : memref<4096xf32, #tpu.memory_space<vmem>>[vector<16xi32>], vector<16xf32>,
      %swap3A_222 = arith.constant 3 : i32
      %swap3A_223 = arith.index_cast %swap3A_222 : i32 to index
      %swap3A_224 = arith.index_cast %multiple_of3A_191 : i32 to index
      %swap3A_225 = tpu.vector_load %arg7[%swap3A_223, %swap3A_224] {strides = array<i32>} : memref<8x1024xf32, #tpu.memory_space<vmem>>, vector<16xf32>,
      tpu.vector_store %arg7[%swap3A_223, %swap3A_224], %gather3A_221 {strides = array<i32>} : memref<8x1024xf32, #tpu.memory_space<vmem>>, vector<16xf32>,
      %add3A_226 = arith.constant 2048 : i32
      %add3A_227 = vector.broadcast %add3A_226 : i32 to vector<16xi32>
      %add3A_228 = arith.addi %get3A_193, %add3A_227 : vector<16xi32>
      %gather3A_229 = tpu.vector_load_idx %arg6[%add3A_228] : memref<4096xf32, #tpu.memory_space<vmem>>[vector<16xi32>], vector<16xf32>,
      %swap3A_230 = arith.constant 4 : i32
      %swap3A_231 = arith.index_cast %swap3A_230 : i32 to index
      %swap3A_232 = arith.index_cast %multiple_of3A_191 : i32 to index
      %swap3A_233 = tpu.vector_load %arg7[%swap3A_231, %swap3A_232] {strides = array<i32>} : memref<8x1024xf32, #tpu.memory_space<vmem>>, vector<16xf32>,
      tpu.vector_store %arg7[%swap3A_231, %swap3A_232], %gather3A_229 {strides = array<i32>} : memref<8x1024xf32, #tpu.memory_space<vmem>>, vector<16xf32>,
      %add3A_234 = arith.constant 2560 : i32
      %add3A_235 = vector.broadcast %add3A_234 : i32 to vector<16xi32>
      %add3A_236 = arith.addi %get3A_193, %add3A_235 : vector<16xi32>
      %gather3A_237 = tpu.vector_load_idx %arg6[%add3A_236] : memref<4096xf32, #tpu.memory_space<vmem>>[vector<16xi32>], vector<16xf32>,
      %swap3A_238 = arith.constant 5 : i32
      %swap3A_239 = arith.index_cast %swap3A_238 : i32 to index
      %swap3A_240 = arith.index_cast %multiple_of3A_191 : i32 to index
      %swap3A_241 = tpu.vector_load %arg7[%swap3A_239, %swap3A_240] {strides = array<i32>} : memref<8x1024xf32, #tpu.memory_space<vmem>>, vector<16xf32>,
      tpu.vector_store %arg7[%swap3A_239, %swap3A_240], %gather3A_237 {strides = array<i32>} : memref<8x1024xf32, #tpu.memory_space<vmem>>, vector<16xf32>,
      %add3A_242 = arith.constant 3072 : i32
      %add3A_243 = vector.broadcast %add3A_242 : i32 to vector<16xi32>
      %add3A_244 = arith.addi %get3A_193, %add3A_243 : vector<16xi32>
      %gather3A_245 = tpu.vector_load_idx %arg6[%add3A_244] : memref<4096xf32, #tpu.memory_space<vmem>>[vector<16xi32>], vector<16xf32>,
      %swap3A_246 = arith.constant 6 : i32
      %swap3A_247 = arith.index_cast %swap3A_246 : i32 to index
      %swap3A_248 = arith.index_cast %multiple_of3A_191 : i32 to index
      %swap3A_249 = tpu.vector_load %arg7[%swap3A_247, %swap3A_248] {strides = array<i32>} : memref<8x1024xf32, #tpu.memory_space<vmem>>, vector<16xf32>,
      tpu.vector_store %arg7[%swap3A_247, %swap3A_248], %gather3A_245 {strides = array<i32>} : memref<8x1024xf32, #tpu.memory_space<vmem>>, vector<16xf32>,
      %add3A_250 = arith.constant 3584 : i32
      %add3A_251 = vector.broadcast %add3A_250 : i32 to vector<16xi32>
      %add3A_252 = arith.addi %get3A_193, %add3A_251 : vector<16xi32>
      %gather3A_253 = tpu.vector_load_idx %arg6[%add3A_252] : memref<4096xf32, #tpu.memory_space<vmem>>[vector<16xi32>], vector<16xf32>,
      %swap3A_254 = arith.constant 7 : i32
      %swap3A_255 = arith.index_cast %swap3A_254 : i32 to index
      %swap3A_256 = arith.index_cast %multiple_of3A_191 : i32 to index
      %swap3A_257 = tpu.vector_load %arg7[%swap3A_255, %swap3A_256] {strides = array<i32>} : memref<8x1024xf32, #tpu.memory_space<vmem>>, vector<16xf32>,
      tpu.vector_store %arg7[%swap3A_255, %swap3A_256], %gather3A_253 {strides = array<i32>} : memref<8x1024xf32, #tpu.memory_space<vmem>>, vector<16xf32>,
      %mul3A_258 = arith.constant 64 : i32
      %mul3A_259 = arith.muli %scan3A_48, %mul3A_258 : i32
      %add3A_260 = arith.constant 48 : i32
      %add3A_261 = arith.addi %mul3A_259, %add3A_260 : i32
      %multiple_of3A_262 = tpu.assume_multiple %add3A_261, 16 : i32
      %get3A_263 = arith.index_cast %multiple_of3A_262 : i32 to index
      %get3A_264 = tpu.vector_load %arg5[%get3A_263] {strides = array<i32>} : memref<1024xi32, #tpu.memory_space<vmem>>, vector<16xi32>,
      %add3A_265 = arith.constant 0 : i32
      %add3A_266 = vector.broadcast %add3A_265 : i32 to vector<16xi32>
      %add3A_267 = arith.addi %get3A_264, %add3A_266 : vector<16xi32>
      %gather3A_268 = tpu.vector_load_idx %arg6[%add3A_267] : memref<4096xf32, #tpu.memory_space<vmem>>[vector<16xi32>], vector<16xf32>,
      %swap3A_269 = arith.constant 0 : i32
      %swap3A_270 = arith.index_cast %swap3A_269 : i32 to index
      %swap3A_271 = arith.index_cast %multiple_of3A_262 : i32 to index
      %swap3A_272 = tpu.vector_load %arg7[%swap3A_270, %swap3A_271] {strides = array<i32>} : memref<8x1024xf32, #tpu.memory_space<vmem>>, vector<16xf32>,
      tpu.vector_store %arg7[%swap3A_270, %swap3A_271], %gather3A_268 {strides = array<i32>} : memref<8x1024xf32, #tpu.memory_space<vmem>>, vector<16xf32>,
      %add3A_273 = arith.constant 512 : i32
      %add3A_274 = vector.broadcast %add3A_273 : i32 to vector<16xi32>
      %add3A_275 = arith.addi %get3A_264, %add3A_274 : vector<16xi32>
      %gather3A_276 = tpu.vector_load_idx %arg6[%add3A_275] : memref<4096xf32, #tpu.memory_space<vmem>>[vector<16xi32>], vector<16xf32>,
      %swap3A_277 = arith.constant 1 : i32
      %swap3A_278 = arith.index_cast %swap3A_277 : i32 to index
      %swap3A_279 = arith.index_cast %multiple_of3A_262 : i32 to index
      %swap3A_280 = tpu.vector_load %arg7[%swap3A_278, %swap3A_279] {strides = array<i32>} : memref<8x1024xf32, #tpu.memory_space<vmem>>, vector<16xf32>,
      tpu.vector_store %arg7[%swap3A_278, %swap3A_279], %gather3A_276 {strides = array<i32>} : memref<8x1024xf32, #tpu.memory_space<vmem>>, vector<16xf32>,
      %add3A_281 = arith.constant 1024 : i32
      %add3A_282 = vector.broadcast %add3A_281 : i32 to vector<16xi32>
      %add3A_283 = arith.addi %get3A_264, %add3A_282 : vector<16xi32>
      %gather3A_284 = tpu.vector_load_idx %arg6[%add3A_283] : memref<4096xf32, #tpu.memory_space<vmem>>[vector<16xi32>], vector<16xf32>,
      %swap3A_285 = arith.constant 2 : i32
      %swap3A_286 = arith.index_cast %swap3A_285 : i32 to index
      %swap3A_287 = arith.index_cast %multiple_of3A_262 : i32 to index
      %swap3A_288 = tpu.vector_load %arg7[%swap3A_286, %swap3A_287] {strides = array<i32>} : memref<8x1024xf32, #tpu.memory_space<vmem>>, vector<16xf32>,
      tpu.vector_store %arg7[%swap3A_286, %swap3A_287], %gather3A_284 {strides = array<i32>} : memref<8x1024xf32, #tpu.memory_space<vmem>>, vector<16xf32>,
      %add3A_289 = arith.constant 1536 : i32
      %add3A_290 = vector.broadcast %add3A_289 : i32 to vector<16xi32>
      %add3A_291 = arith.addi %get3A_264, %add3A_290 : vector<16xi32>
      %gather3A_292 = tpu.vector_load_idx %arg6[%add3A_291] : memref<4096xf32, #tpu.memory_space<vmem>>[vector<16xi32>], vector<16xf32>,
      %swap3A_293 = arith.constant 3 : i32
      %swap3A_294 = arith.index_cast %swap3A_293 : i32 to index
      %swap3A_295 = arith.index_cast %multiple_of3A_262 : i32 to index
      %swap3A_296 = tpu.vector_load %arg7[%swap3A_294, %swap3A_295] {strides = array<i32>} : memref<8x1024xf32, #tpu.memory_space<vmem>>, vector<16xf32>,
      tpu.vector_store %arg7[%swap3A_294, %swap3A_295], %gather3A_292 {strides = array<i32>} : memref<8x1024xf32, #tpu.memory_space<vmem>>, vector<16xf32>,
      %add3A_297 = arith.constant 2048 : i32
      %add3A_298 = vector.broadcast %add3A_297 : i32 to vector<16xi32>
      %add3A_299 = arith.addi %get3A_264, %add3A_298 : vector<16xi32>
      %gather3A_300 = tpu.vector_load_idx %arg6[%add3A_299] : memref<4096xf32, #tpu.memory_space<vmem>>[vector<16xi32>], vector<16xf32>,
      %swap3A_301 = arith.constant 4 : i32
      %swap3A_302 = arith.index_cast %swap3A_301 : i32 to index
      %swap3A_303 = arith.index_cast %multiple_of3A_262 : i32 to index
      %swap3A_304 = tpu.vector_load %arg7[%swap3A_302, %swap3A_303] {strides = array<i32>} : memref<8x1024xf32, #tpu.memory_space<vmem>>, vector<16xf32>,
      tpu.vector_store %arg7[%swap3A_302, %swap3A_303], %gather3A_300 {strides = array<i32>} : memref<8x1024xf32, #tpu.memory_space<vmem>>, vector<16xf32>,
      %add3A_305 = arith.constant 2560 : i32
      %add3A_306 = vector.broadcast %add3A_305 : i32 to vector<16xi32>
      %add3A_307 = arith.addi %get3A_264, %add3A_306 : vector<16xi32>
      %gather3A_308 = tpu.vector_load_idx %arg6[%add3A_307] : memref<4096xf32, #tpu.memory_space<vmem>>[vector<16xi32>], vector<16xf32>,
      %swap3A_309 = arith.constant 5 : i32
      %swap3A_310 = arith.index_cast %swap3A_309 : i32 to index
      %swap3A_311 = arith.index_cast %multiple_of3A_262 : i32 to index
      %swap3A_312 = tpu.vector_load %arg7[%swap3A_310, %swap3A_311] {strides = array<i32>} : memref<8x1024xf32, #tpu.memory_space<vmem>>, vector<16xf32>,
      tpu.vector_store %arg7[%swap3A_310, %swap3A_311], %gather3A_308 {strides = array<i32>} : memref<8x1024xf32, #tpu.memory_space<vmem>>, vector<16xf32>,
      %add3A_313 = arith.constant 3072 : i32
      %add3A_314 = vector.broadcast %add3A_313 : i32 to vector<16xi32>
      %add3A_315 = arith.addi %get3A_264, %add3A_314 : vector<16xi32>
      %gather3A_316 = tpu.vector_load_idx %arg6[%add3A_315] : memref<4096xf32, #tpu.memory_space<vmem>>[vector<16xi32>], vector<16xf32>,
      %swap3A_317 = arith.constant 6 : i32
      %swap3A_318 = arith.index_cast %swap3A_317 : i32 to index
      %swap3A_319 = arith.index_cast %multiple_of3A_262 : i32 to index
      %swap3A_320 = tpu.vector_load %arg7[%swap3A_318, %swap3A_319] {strides = array<i32>} : memref<8x1024xf32, #tpu.memory_space<vmem>>, vector<16xf32>,
      tpu.vector_store %arg7[%swap3A_318, %swap3A_319], %gather3A_316 {strides = array<i32>} : memref<8x1024xf32, #tpu.memory_space<vmem>>, vector<16xf32>,
      %add3A_321 = arith.constant 3584 : i32
      %add3A_322 = vector.broadcast %add3A_321 : i32 to vector<16xi32>
      %add3A_323 = arith.addi %get3A_264, %add3A_322 : vector<16xi32>
      %gather3A_324 = tpu.vector_load_idx %arg6[%add3A_323] : memref<4096xf32, #tpu.memory_space<vmem>>[vector<16xi32>], vector<16xf32>,
      %swap3A_325 = arith.constant 7 : i32
      %swap3A_326 = arith.index_cast %swap3A_325 : i32 to index
      %swap3A_327 = arith.index_cast %multiple_of3A_262 : i32 to index
      %swap3A_328 = tpu.vector_load %arg7[%swap3A_326, %swap3A_327] {strides = array<i32>} : memref<8x1024xf32, #tpu.memory_space<vmem>>, vector<16xf32>,
      tpu.vector_store %arg7[%swap3A_326, %swap3A_327], %gather3A_324 {strides = array<i32>} : memref<8x1024xf32, #tpu.memory_space<vmem>>, vector<16xf32>,
    }
    %scan3A_45 = arith.constant 16 : i32
    %mul3A_46 = arith.constant 8 : i32
    %mul3A_47 = arith.muli %select_n3A_30, %mul3A_46 : i32
    "tpu.region"() ({
      %run_scoped3A = tpu.sem_alloc : memref<!tpu.dma_semaphore, #tpu.memory_space<semaphore_mem>>
      %dma_start3A_48 = arith.constant 0 : i32
      %dma_start3A_49 = tpu.memref_slice %arg4[%select_n3A, %mul3A_47, %dma_start3A_48] : memref<8x32x1024xf32, #tpu.memory_space<hbm>> -> memref<1x8x1024xf32, #tpu.memory_space<hbm>>
      %dma_start3A_50 = tpu.memref_squeeze %dma_start3A_49 : memref<1x8x1024xf32, #tpu.memory_space<hbm>> -> memref<8x1024xf32, #tpu.memory_space<hbm>>
      %dma_start3A_51 = arith.constant 0 : i32
      %dma_start3A_52 = tpu.memref_slice %arg4[%select_n3A, %mul3A_47, %dma_start3A_51] : memref<8x32x1024xf32, #tpu.memory_space<hbm>> -> memref<1x8x1024xf32, #tpu.memory_space<hbm>>
      %dma_start3A_53 = tpu.memref_squeeze %dma_start3A_52 : memref<1x8x1024xf32, #tpu.memory_space<hbm>> -> memref<8x1024xf32, #tpu.memory_space<hbm>>
      tpu.enqueue_dma source(%arg7 : memref<8x1024xf32, #tpu.memory_space<vmem>>) target(%dma_start3A_53 : memref<8x1024xf32, #tpu.memory_space<hbm>>) target_semaphore(%run_scoped3A : memref<!tpu.dma_semaphore, #tpu.memory_space<semaphore_mem>>)
      %dma_wait3A_54 = arith.constant 0 : i32
      %dma_wait3A_55 = tpu.memref_slice %arg4[%select_n3A, %mul3A_47, %dma_wait3A_54] : memref<8x32x1024xf32, #tpu.memory_space<hbm>> -> memref<1x8x1024xf32, #tpu.memory_space<hbm>>
      %dma_wait3A_56 = tpu.memref_squeeze %dma_wait3A_55 : memref<1x8x1024xf32, #tpu.memory_space<hbm>> -> memref<8x1024xf32, #tpu.memory_space<hbm>>
      %dma_wait3A_57 = arith.constant 0 : i32
      %dma_wait3A_58 = tpu.memref_slice %arg4[%select_n3A, %mul3A_47, %dma_wait3A_57] : memref<8x32x1024xf32, #tpu.memory_space<hbm>> -> memref<1x8x1024xf32, #tpu.memory_space<hbm>>
      %dma_wait3A_59 = tpu.memref_squeeze %dma_wait3A_58 : memref<1x8x1024xf32, #tpu.memory_space<hbm>> -> memref<8x1024xf32, #tpu.memory_space<hbm>>
      tpu.wait_dma2 semaphore(%run_scoped3A : memref<!tpu.dma_semaphore, #tpu.memory_space<semaphore_mem>>) src(%arg7 : memref<8x1024xf32, #tpu.memory_space<vmem>>) dst(%dma_wait3A_59 : memref<8x1024xf32, #tpu.memory_space<hbm>>)
      tpu.yield
    }) : () -> ()
    return
  }
}

module attributes {stable_mosaic.version = 14 : i64} {
  func.func @_tc_body(%arg0: i32, %arg1: memref<512x8xf32, #tpu.memory_space<vmem>>, %arg2: memref<4x64x1024xf32, #tpu.memory_space<vmem>>, %arg3: memref<4x4x1024xi32, #tpu.memory_space<vmem>>, %arg4: memref<1x1xf32, #tpu.memory_space<smem>>) attributes {dimension_semantics = [#tpu.dimension_semantics<arbitrary>], iteration_bounds = array<i64: 2>, scalar_prefetch = 0 : i64, scratch_operands = 0 : i64, tpu.core_type = #tpu.core_type<tc>, window_params = [{pipeline_mode = #tpu.pipeline_mode<synchronous>, transform_indices = @transform_0, window_bounds = array<i64: 512, 8>}, {transform_indices = @transform_1, window_bounds = array<i64: 4, 64, 1024>}, {transform_indices = @transform_2, window_bounds = array<i64: 4, 4, 1024>}, {transform_indices = @transform_3, window_bounds = array<i64: 1, 1>}]} {
    %get3A = arith.constant 0 : index
    %get3A_0 = arith.constant 0 : index
    %get3A_1 = vector.load %arg1[%get3A, %get3A_0] : memref<512x8xf32, #tpu.memory_space<vmem>>, vector<512x8xf32>
    %mul3A = arith.constant 5.000000e-01 : f32
    %mul3A_2 = vector.broadcast %mul3A : f32 to vector<512x8xf32>
    %mul3A_3 = arith.mulf %mul3A_2, %get3A_1 : vector<512x8xf32>
    %mul3A_4 = arith.mulf %mul3A_3, %get3A_1 : vector<512x8xf32>
    %concatenate3A = tpu.concatenate %mul3A_4, %get3A_1 in 1 : vector<512x8xf32>, vector<512x8xf32> -> vector<512x16xf32>
    %get3A_5 = arith.constant 0 : index
    %get3A_6 = arith.constant 0 : index
    %get3A_7 = arith.constant 0 : index
    %get3A_8 = vector.load %arg2[%get3A_5, %get3A_6, %get3A_7] : memref<4x64x1024xf32, #tpu.memory_space<vmem>>, vector<1x64x1024xf32>
    %get3A_9 = vector.shape_cast %get3A_8 : vector<1x64x1024xf32> to vector<64x1024xf32>
    %slice3A = vector.extract_strided_slice %get3A_9 {offsets = [0, 0], sizes = [32, 1024], strides = [1, 1]} : vector<64x1024xf32> to vector<32x1024xf32>
    %slice3A_10 = vector.extract_strided_slice %get3A_9 {offsets = [32, 0], sizes = [32, 1024], strides = [1, 1]} : vector<64x1024xf32> to vector<32x1024xf32>
    %jit3A = arith.constant -3.000000e+01 : f32
    %jit3A_11 = arith.constant 2.000000e+01 : f32
    %max3A = vector.broadcast %jit3A : f32 to vector<32x1024xf32>
    %max3A_12 = arith.maximumf %max3A, %slice3A_10 : vector<32x1024xf32>
    %min3A = vector.broadcast %jit3A_11 : f32 to vector<32x1024xf32>
    %min3A_13 = arith.minimumf %min3A, %max3A_12 : vector<32x1024xf32>
    %neg3A = arith.constant 0.000000e+00 : f32
    %neg3A_14 = vector.broadcast %neg3A : f32 to vector<32x1024xf32>
    %neg3A_15 = arith.subf %neg3A_14, %min3A_13 : vector<32x1024xf32>
    %exp3A = math.exp %neg3A_15 : vector<32x1024xf32>
    %sub3A = arith.constant 1.000000e+00 : f32
    %sub3A_16 = vector.broadcast %sub3A : f32 to vector<32x1024xf32>
    %sub3A_17 = arith.subf %sub3A_16, %exp3A : vector<32x1024xf32>
    %mul3A_18 = arith.mulf %slice3A, %exp3A : vector<32x1024xf32>
    %slice3A_19 = vector.extract_strided_slice %sub3A_17 {offsets = [0, 0], sizes = [8, 1024], strides = [1, 1]} : vector<32x1024xf32> to vector<8x1024xf32>
    %slice3A_20 = vector.extract_strided_slice %mul3A_18 {offsets = [0, 0], sizes = [8, 1024], strides = [1, 1]} : vector<32x1024xf32> to vector<8x1024xf32>
    %concatenate3A_21 = tpu.concatenate %slice3A_19, %slice3A_20 in 0 : vector<8x1024xf32>, vector<8x1024xf32> -> vector<16x1024xf32>
    %dot_general3A = arith.constant dense<0.000000e+00> : vector<512x1024xf32>
    %dot_general3A_22 = tpu.matmul %concatenate3A, %concatenate3A_21, %dot_general3A {dimension_numbers = #tpu.dot_dimension_numbers<[1], [0], [0], [1], [0, 0, 1, 1], [], []>, precision = #tpu.contract_precision<fp32>, transpose_lhs_hint = false} : vector<512x16xf32>, vector<16x1024xf32>, vector<512x1024xf32> -> vector<512x1024xf32>
    %argmax3A = tpu.reduce_index %dot_general3A_22 {axis = 0 : i32, kind = #tpu.reduction_kind<arg_max>} : vector<512x1024xf32> -> vector<1024xi32>
    %swap3A = arith.constant 0 : index
    %swap3A_23 = arith.constant 0 : index
    %swap3A_24 = arith.constant 0 : index
    %swap3A_25 = vector.load %arg3[%swap3A, %swap3A_23, %swap3A_24] : memref<4x4x1024xi32, #tpu.memory_space<vmem>>, vector<1x1x1024xi32>
    %swap3A_26 = vector.shape_cast %swap3A_25 : vector<1x1x1024xi32> to vector<1024xi32>
    %swap3A_27 = vector.shape_cast %argmax3A : vector<1024xi32> to vector<1x1x1024xi32>
    tpu.vector_store %arg3[%swap3A, %swap3A_23, %swap3A_24], %swap3A_27 {strides = array<i32>} : memref<4x4x1024xi32, #tpu.memory_space<vmem>>, vector<1x1x1024xi32>,
    %slice3A_28 = vector.extract_strided_slice %sub3A_17 {offsets = [8, 0], sizes = [8, 1024], strides = [1, 1]} : vector<32x1024xf32> to vector<8x1024xf32>
    %slice3A_29 = vector.extract_strided_slice %mul3A_18 {offsets = [8, 0], sizes = [8, 1024], strides = [1, 1]} : vector<32x1024xf32> to vector<8x1024xf32>
    %concatenate3A_30 = tpu.concatenate %slice3A_28, %slice3A_29 in 0 : vector<8x1024xf32>, vector<8x1024xf32> -> vector<16x1024xf32>
    %dot_general3A_31 = arith.constant dense<0.000000e+00> : vector<512x1024xf32>
    %dot_general3A_32 = tpu.matmul %concatenate3A, %concatenate3A_30, %dot_general3A_31 {dimension_numbers = #tpu.dot_dimension_numbers<[1], [0], [0], [1], [0, 0, 1, 1], [], []>, precision = #tpu.contract_precision<fp32>, transpose_lhs_hint = false} : vector<512x16xf32>, vector<16x1024xf32>, vector<512x1024xf32> -> vector<512x1024xf32>
    %argmax3A_33 = tpu.reduce_index %dot_general3A_32 {axis = 0 : i32, kind = #tpu.reduction_kind<arg_max>} : vector<512x1024xf32> -> vector<1024xi32>
    %swap3A_34 = arith.constant 0 : index
    %swap3A_35 = arith.constant 1 : index
    %swap3A_36 = arith.constant 0 : index
    %swap3A_37 = vector.load %arg3[%swap3A_34, %swap3A_35, %swap3A_36] : memref<4x4x1024xi32, #tpu.memory_space<vmem>>, vector<1x1x1024xi32>
    %swap3A_38 = vector.shape_cast %swap3A_37 : vector<1x1x1024xi32> to vector<1024xi32>
    %swap3A_39 = vector.shape_cast %argmax3A_33 : vector<1024xi32> to vector<1x1x1024xi32>
    tpu.vector_store %arg3[%swap3A_34, %swap3A_35, %swap3A_36], %swap3A_39 {strides = array<i32>} : memref<4x4x1024xi32, #tpu.memory_space<vmem>>, vector<1x1x1024xi32>,
    %slice3A_40 = vector.extract_strided_slice %sub3A_17 {offsets = [16, 0], sizes = [8, 1024], strides = [1, 1]} : vector<32x1024xf32> to vector<8x1024xf32>
    %slice3A_41 = vector.extract_strided_slice %mul3A_18 {offsets = [16, 0], sizes = [8, 1024], strides = [1, 1]} : vector<32x1024xf32> to vector<8x1024xf32>
    %concatenate3A_42 = tpu.concatenate %slice3A_40, %slice3A_41 in 0 : vector<8x1024xf32>, vector<8x1024xf32> -> vector<16x1024xf32>
    %dot_general3A_43 = arith.constant dense<0.000000e+00> : vector<512x1024xf32>
    %dot_general3A_44 = tpu.matmul %concatenate3A, %concatenate3A_42, %dot_general3A_43 {dimension_numbers = #tpu.dot_dimension_numbers<[1], [0], [0], [1], [0, 0, 1, 1], [], []>, precision = #tpu.contract_precision<fp32>, transpose_lhs_hint = false} : vector<512x16xf32>, vector<16x1024xf32>, vector<512x1024xf32> -> vector<512x1024xf32>
    %argmax3A_45 = tpu.reduce_index %dot_general3A_44 {axis = 0 : i32, kind = #tpu.reduction_kind<arg_max>} : vector<512x1024xf32> -> vector<1024xi32>
    %swap3A_46 = arith.constant 0 : index
    %swap3A_47 = arith.constant 2 : index
    %swap3A_48 = arith.constant 0 : index
    %swap3A_49 = vector.load %arg3[%swap3A_46, %swap3A_47, %swap3A_48] : memref<4x4x1024xi32, #tpu.memory_space<vmem>>, vector<1x1x1024xi32>
    %swap3A_50 = vector.shape_cast %swap3A_49 : vector<1x1x1024xi32> to vector<1024xi32>
    %swap3A_51 = vector.shape_cast %argmax3A_45 : vector<1024xi32> to vector<1x1x1024xi32>
    tpu.vector_store %arg3[%swap3A_46, %swap3A_47, %swap3A_48], %swap3A_51 {strides = array<i32>} : memref<4x4x1024xi32, #tpu.memory_space<vmem>>, vector<1x1x1024xi32>,
    %slice3A_52 = vector.extract_strided_slice %sub3A_17 {offsets = [24, 0], sizes = [8, 1024], strides = [1, 1]} : vector<32x1024xf32> to vector<8x1024xf32>
    %slice3A_53 = vector.extract_strided_slice %mul3A_18 {offsets = [24, 0], sizes = [8, 1024], strides = [1, 1]} : vector<32x1024xf32> to vector<8x1024xf32>
    %concatenate3A_54 = tpu.concatenate %slice3A_52, %slice3A_53 in 0 : vector<8x1024xf32>, vector<8x1024xf32> -> vector<16x1024xf32>
    %dot_general3A_55 = arith.constant dense<0.000000e+00> : vector<512x1024xf32>
    %dot_general3A_56 = tpu.matmul %concatenate3A, %concatenate3A_54, %dot_general3A_55 {dimension_numbers = #tpu.dot_dimension_numbers<[1], [0], [0], [1], [0, 0, 1, 1], [], []>, precision = #tpu.contract_precision<fp32>, transpose_lhs_hint = false} : vector<512x16xf32>, vector<16x1024xf32>, vector<512x1024xf32> -> vector<512x1024xf32>
    %argmax3A_57 = tpu.reduce_index %dot_general3A_56 {axis = 0 : i32, kind = #tpu.reduction_kind<arg_max>} : vector<512x1024xf32> -> vector<1024xi32>
    %swap3A_58 = arith.constant 0 : index
    %swap3A_59 = arith.constant 3 : index
    %swap3A_60 = arith.constant 0 : index
    %swap3A_61 = vector.load %arg3[%swap3A_58, %swap3A_59, %swap3A_60] : memref<4x4x1024xi32, #tpu.memory_space<vmem>>, vector<1x1x1024xi32>
    %swap3A_62 = vector.shape_cast %swap3A_61 : vector<1x1x1024xi32> to vector<1024xi32>
    %swap3A_63 = vector.shape_cast %argmax3A_57 : vector<1024xi32> to vector<1x1x1024xi32>
    tpu.vector_store %arg3[%swap3A_58, %swap3A_59, %swap3A_60], %swap3A_63 {strides = array<i32>} : memref<4x4x1024xi32, #tpu.memory_space<vmem>>, vector<1x1x1024xi32>,
    %exp3A_64 = math.exp %min3A_13 : vector<32x1024xf32>
    %mul3A_65 = arith.mulf %slice3A, %slice3A : vector<32x1024xf32>
    %add3A = arith.addf %mul3A_65, %exp3A_64 : vector<32x1024xf32>
    %sub3A_66 = arith.constant 1.000000e+00 : f32
    %sub3A_67 = vector.broadcast %sub3A_66 : f32 to vector<32x1024xf32>
    %sub3A_68 = arith.subf %add3A, %sub3A_67 : vector<32x1024xf32>
    %sub3A_69 = arith.subf %sub3A_68, %min3A_13 : vector<32x1024xf32>
    %reduce_sum3A = vector.shape_cast %sub3A_69 : vector<32x1024xf32> to vector<1x32x1024xf32>
    %reduce_sum3A_70 = arith.constant dense<0.000000e+00> : vector<1xf32>
    %reduce_sum3A_71 = vector.multi_reduction <add>, %reduce_sum3A, %reduce_sum3A_70 [1, 2] : vector<1x32x1024xf32> to vector<1xf32>
    %reduce_sum3A_72 = vector.shape_cast %reduce_sum3A_71 : vector<1xf32> to vector<1x1x1xf32>
    %reduce_sum3A_73 = vector.extract %reduce_sum3A_72[0, 0, 0] : f32 from vector<1x1x1xf32>
    %add3A_74 = arith.constant 0.000000e+00 : f32
    %add3A_75 = arith.addf %add3A_74, %reduce_sum3A_73 : f32
    %get3A_76 = arith.constant 1 : index
    %get3A_77 = arith.constant 0 : index
    %get3A_78 = arith.constant 0 : index
    %get3A_79 = vector.load %arg2[%get3A_76, %get3A_77, %get3A_78] : memref<4x64x1024xf32, #tpu.memory_space<vmem>>, vector<1x64x1024xf32>
    %get3A_80 = vector.shape_cast %get3A_79 : vector<1x64x1024xf32> to vector<64x1024xf32>
    %slice3A_81 = vector.extract_strided_slice %get3A_80 {offsets = [0, 0], sizes = [32, 1024], strides = [1, 1]} : vector<64x1024xf32> to vector<32x1024xf32>
    %slice3A_82 = vector.extract_strided_slice %get3A_80 {offsets = [32, 0], sizes = [32, 1024], strides = [1, 1]} : vector<64x1024xf32> to vector<32x1024xf32>
    %jit3A_83 = arith.constant -3.000000e+01 : f32
    %jit3A_84 = arith.constant 2.000000e+01 : f32
    %max3A_85 = vector.broadcast %jit3A_83 : f32 to vector<32x1024xf32>
    %max3A_86 = arith.maximumf %max3A_85, %slice3A_82 : vector<32x1024xf32>
    %min3A_87 = vector.broadcast %jit3A_84 : f32 to vector<32x1024xf32>
    %min3A_88 = arith.minimumf %min3A_87, %max3A_86 : vector<32x1024xf32>
    %neg3A_89 = arith.constant 0.000000e+00 : f32
    %neg3A_90 = vector.broadcast %neg3A_89 : f32 to vector<32x1024xf32>
    %neg3A_91 = arith.subf %neg3A_90, %min3A_88 : vector<32x1024xf32>
    %exp3A_92 = math.exp %neg3A_91 : vector<32x1024xf32>
    %sub3A_93 = arith.constant 1.000000e+00 : f32
    %sub3A_94 = vector.broadcast %sub3A_93 : f32 to vector<32x1024xf32>
    %sub3A_95 = arith.subf %sub3A_94, %exp3A_92 : vector<32x1024xf32>
    %mul3A_96 = arith.mulf %slice3A_81, %exp3A_92 : vector<32x1024xf32>
    %slice3A_97 = vector.extract_strided_slice %sub3A_95 {offsets = [0, 0], sizes = [8, 1024], strides = [1, 1]} : vector<32x1024xf32> to vector<8x1024xf32>
    %slice3A_98 = vector.extract_strided_slice %mul3A_96 {offsets = [0, 0], sizes = [8, 1024], strides = [1, 1]} : vector<32x1024xf32> to vector<8x1024xf32>
    %concatenate3A_99 = tpu.concatenate %slice3A_97, %slice3A_98 in 0 : vector<8x1024xf32>, vector<8x1024xf32> -> vector<16x1024xf32>
    %dot_general3A_100 = arith.constant dense<0.000000e+00> : vector<512x1024xf32>
    %dot_general3A_101 = tpu.matmul %concatenate3A, %concatenate3A_99, %dot_general3A_100 {dimension_numbers = #tpu.dot_dimension_numbers<[1], [0], [0], [1], [0, 0, 1, 1], [], []>, precision = #tpu.contract_precision<fp32>, transpose_lhs_hint = false} : vector<512x16xf32>, vector<16x1024xf32>, vector<512x1024xf32> -> vector<512x1024xf32>
    %argmax3A_102 = tpu.reduce_index %dot_general3A_101 {axis = 0 : i32, kind = #tpu.reduction_kind<arg_max>} : vector<512x1024xf32> -> vector<1024xi32>
    %swap3A_103 = arith.constant 1 : index
    %swap3A_104 = arith.constant 0 : index
    %swap3A_105 = arith.constant 0 : index
    %swap3A_106 = vector.load %arg3[%swap3A_103, %swap3A_104, %swap3A_105] : memref<4x4x1024xi32, #tpu.memory_space<vmem>>, vector<1x1x1024xi32>
    %swap3A_107 = vector.shape_cast %swap3A_106 : vector<1x1x1024xi32> to vector<1024xi32>
    %swap3A_108 = vector.shape_cast %argmax3A_102 : vector<1024xi32> to vector<1x1x1024xi32>
    tpu.vector_store %arg3[%swap3A_103, %swap3A_104, %swap3A_105], %swap3A_108 {strides = array<i32>} : memref<4x4x1024xi32, #tpu.memory_space<vmem>>, vector<1x1x1024xi32>,
    %slice3A_109 = vector.extract_strided_slice %sub3A_95 {offsets = [8, 0], sizes = [8, 1024], strides = [1, 1]} : vector<32x1024xf32> to vector<8x1024xf32>
    %slice3A_110 = vector.extract_strided_slice %mul3A_96 {offsets = [8, 0], sizes = [8, 1024], strides = [1, 1]} : vector<32x1024xf32> to vector<8x1024xf32>
    %concatenate3A_111 = tpu.concatenate %slice3A_109, %slice3A_110 in 0 : vector<8x1024xf32>, vector<8x1024xf32> -> vector<16x1024xf32>
    %dot_general3A_112 = arith.constant dense<0.000000e+00> : vector<512x1024xf32>
    %dot_general3A_113 = tpu.matmul %concatenate3A, %concatenate3A_111, %dot_general3A_112 {dimension_numbers = #tpu.dot_dimension_numbers<[1], [0], [0], [1], [0, 0, 1, 1], [], []>, precision = #tpu.contract_precision<fp32>, transpose_lhs_hint = false} : vector<512x16xf32>, vector<16x1024xf32>, vector<512x1024xf32> -> vector<512x1024xf32>
    %argmax3A_114 = tpu.reduce_index %dot_general3A_113 {axis = 0 : i32, kind = #tpu.reduction_kind<arg_max>} : vector<512x1024xf32> -> vector<1024xi32>
    %swap3A_115 = arith.constant 1 : index
    %swap3A_116 = arith.constant 1 : index
    %swap3A_117 = arith.constant 0 : index
    %swap3A_118 = vector.load %arg3[%swap3A_115, %swap3A_116, %swap3A_117] : memref<4x4x1024xi32, #tpu.memory_space<vmem>>, vector<1x1x1024xi32>
    %swap3A_119 = vector.shape_cast %swap3A_118 : vector<1x1x1024xi32> to vector<1024xi32>
    %swap3A_120 = vector.shape_cast %argmax3A_114 : vector<1024xi32> to vector<1x1x1024xi32>
    tpu.vector_store %arg3[%swap3A_115, %swap3A_116, %swap3A_117], %swap3A_120 {strides = array<i32>} : memref<4x4x1024xi32, #tpu.memory_space<vmem>>, vector<1x1x1024xi32>,
    %slice3A_121 = vector.extract_strided_slice %sub3A_95 {offsets = [16, 0], sizes = [8, 1024], strides = [1, 1]} : vector<32x1024xf32> to vector<8x1024xf32>
    %slice3A_122 = vector.extract_strided_slice %mul3A_96 {offsets = [16, 0], sizes = [8, 1024], strides = [1, 1]} : vector<32x1024xf32> to vector<8x1024xf32>
    %concatenate3A_123 = tpu.concatenate %slice3A_121, %slice3A_122 in 0 : vector<8x1024xf32>, vector<8x1024xf32> -> vector<16x1024xf32>
    %dot_general3A_124 = arith.constant dense<0.000000e+00> : vector<512x1024xf32>
    %dot_general3A_125 = tpu.matmul %concatenate3A, %concatenate3A_123, %dot_general3A_124 {dimension_numbers = #tpu.dot_dimension_numbers<[1], [0], [0], [1], [0, 0, 1, 1], [], []>, precision = #tpu.contract_precision<fp32>, transpose_lhs_hint = false} : vector<512x16xf32>, vector<16x1024xf32>, vector<512x1024xf32> -> vector<512x1024xf32>
    %argmax3A_126 = tpu.reduce_index %dot_general3A_125 {axis = 0 : i32, kind = #tpu.reduction_kind<arg_max>} : vector<512x1024xf32> -> vector<1024xi32>
    %swap3A_127 = arith.constant 1 : index
    %swap3A_128 = arith.constant 2 : index
    %swap3A_129 = arith.constant 0 : index
    %swap3A_130 = vector.load %arg3[%swap3A_127, %swap3A_128, %swap3A_129] : memref<4x4x1024xi32, #tpu.memory_space<vmem>>, vector<1x1x1024xi32>
    %swap3A_131 = vector.shape_cast %swap3A_130 : vector<1x1x1024xi32> to vector<1024xi32>
    %swap3A_132 = vector.shape_cast %argmax3A_126 : vector<1024xi32> to vector<1x1x1024xi32>
    tpu.vector_store %arg3[%swap3A_127, %swap3A_128, %swap3A_129], %swap3A_132 {strides = array<i32>} : memref<4x4x1024xi32, #tpu.memory_space<vmem>>, vector<1x1x1024xi32>,
    %slice3A_133 = vector.extract_strided_slice %sub3A_95 {offsets = [24, 0], sizes = [8, 1024], strides = [1, 1]} : vector<32x1024xf32> to vector<8x1024xf32>
    %slice3A_134 = vector.extract_strided_slice %mul3A_96 {offsets = [24, 0], sizes = [8, 1024], strides = [1, 1]} : vector<32x1024xf32> to vector<8x1024xf32>
    %concatenate3A_135 = tpu.concatenate %slice3A_133, %slice3A_134 in 0 : vector<8x1024xf32>, vector<8x1024xf32> -> vector<16x1024xf32>
    %dot_general3A_136 = arith.constant dense<0.000000e+00> : vector<512x1024xf32>
    %dot_general3A_137 = tpu.matmul %concatenate3A, %concatenate3A_135, %dot_general3A_136 {dimension_numbers = #tpu.dot_dimension_numbers<[1], [0], [0], [1], [0, 0, 1, 1], [], []>, precision = #tpu.contract_precision<fp32>, transpose_lhs_hint = false} : vector<512x16xf32>, vector<16x1024xf32>, vector<512x1024xf32> -> vector<512x1024xf32>
    %argmax3A_138 = tpu.reduce_index %dot_general3A_137 {axis = 0 : i32, kind = #tpu.reduction_kind<arg_max>} : vector<512x1024xf32> -> vector<1024xi32>
    %swap3A_139 = arith.constant 1 : index
    %swap3A_140 = arith.constant 3 : index
    %swap3A_141 = arith.constant 0 : index
    %swap3A_142 = vector.load %arg3[%swap3A_139, %swap3A_140, %swap3A_141] : memref<4x4x1024xi32, #tpu.memory_space<vmem>>, vector<1x1x1024xi32>
    %swap3A_143 = vector.shape_cast %swap3A_142 : vector<1x1x1024xi32> to vector<1024xi32>
    %swap3A_144 = vector.shape_cast %argmax3A_138 : vector<1024xi32> to vector<1x1x1024xi32>
    tpu.vector_store %arg3[%swap3A_139, %swap3A_140, %swap3A_141], %swap3A_144 {strides = array<i32>} : memref<4x4x1024xi32, #tpu.memory_space<vmem>>, vector<1x1x1024xi32>,
    %exp3A_145 = math.exp %min3A_88 : vector<32x1024xf32>
    %mul3A_146 = arith.mulf %slice3A_81, %slice3A_81 : vector<32x1024xf32>
    %add3A_147 = arith.addf %mul3A_146, %exp3A_145 : vector<32x1024xf32>
    %sub3A_148 = arith.constant 1.000000e+00 : f32
    %sub3A_149 = vector.broadcast %sub3A_148 : f32 to vector<32x1024xf32>
    %sub3A_150 = arith.subf %add3A_147, %sub3A_149 : vector<32x1024xf32>
    %sub3A_151 = arith.subf %sub3A_150, %min3A_88 : vector<32x1024xf32>
    %reduce_sum3A_152 = vector.shape_cast %sub3A_151 : vector<32x1024xf32> to vector<1x32x1024xf32>
    %reduce_sum3A_153 = arith.constant dense<0.000000e+00> : vector<1xf32>
    %reduce_sum3A_154 = vector.multi_reduction <add>, %reduce_sum3A_152, %reduce_sum3A_153 [1, 2] : vector<1x32x1024xf32> to vector<1xf32>
    %reduce_sum3A_155 = vector.shape_cast %reduce_sum3A_154 : vector<1xf32> to vector<1x1x1xf32>
    %reduce_sum3A_156 = vector.extract %reduce_sum3A_155[0, 0, 0] : f32 from vector<1x1x1xf32>
    %add3A_157 = arith.addf %add3A_75, %reduce_sum3A_156 : f32
    %get3A_158 = arith.constant 2 : index
    %get3A_159 = arith.constant 0 : index
    %get3A_160 = arith.constant 0 : index
    %get3A_161 = vector.load %arg2[%get3A_158, %get3A_159, %get3A_160] : memref<4x64x1024xf32, #tpu.memory_space<vmem>>, vector<1x64x1024xf32>
    %get3A_162 = vector.shape_cast %get3A_161 : vector<1x64x1024xf32> to vector<64x1024xf32>
    %slice3A_163 = vector.extract_strided_slice %get3A_162 {offsets = [0, 0], sizes = [32, 1024], strides = [1, 1]} : vector<64x1024xf32> to vector<32x1024xf32>
    %slice3A_164 = vector.extract_strided_slice %get3A_162 {offsets = [32, 0], sizes = [32, 1024], strides = [1, 1]} : vector<64x1024xf32> to vector<32x1024xf32>
    %jit3A_165 = arith.constant -3.000000e+01 : f32
    %jit3A_166 = arith.constant 2.000000e+01 : f32
    %max3A_167 = vector.broadcast %jit3A_165 : f32 to vector<32x1024xf32>
    %max3A_168 = arith.maximumf %max3A_167, %slice3A_164 : vector<32x1024xf32>
    %min3A_169 = vector.broadcast %jit3A_166 : f32 to vector<32x1024xf32>
    %min3A_170 = arith.minimumf %min3A_169, %max3A_168 : vector<32x1024xf32>
    %neg3A_171 = arith.constant 0.000000e+00 : f32
    %neg3A_172 = vector.broadcast %neg3A_171 : f32 to vector<32x1024xf32>
    %neg3A_173 = arith.subf %neg3A_172, %min3A_170 : vector<32x1024xf32>
    %exp3A_174 = math.exp %neg3A_173 : vector<32x1024xf32>
    %sub3A_175 = arith.constant 1.000000e+00 : f32
    %sub3A_176 = vector.broadcast %sub3A_175 : f32 to vector<32x1024xf32>
    %sub3A_177 = arith.subf %sub3A_176, %exp3A_174 : vector<32x1024xf32>
    %mul3A_178 = arith.mulf %slice3A_163, %exp3A_174 : vector<32x1024xf32>
    %slice3A_179 = vector.extract_strided_slice %sub3A_177 {offsets = [0, 0], sizes = [8, 1024], strides = [1, 1]} : vector<32x1024xf32> to vector<8x1024xf32>
    %slice3A_180 = vector.extract_strided_slice %mul3A_178 {offsets = [0, 0], sizes = [8, 1024], strides = [1, 1]} : vector<32x1024xf32> to vector<8x1024xf32>
    %concatenate3A_181 = tpu.concatenate %slice3A_179, %slice3A_180 in 0 : vector<8x1024xf32>, vector<8x1024xf32> -> vector<16x1024xf32>
    %dot_general3A_182 = arith.constant dense<0.000000e+00> : vector<512x1024xf32>
    %dot_general3A_183 = tpu.matmul %concatenate3A, %concatenate3A_181, %dot_general3A_182 {dimension_numbers = #tpu.dot_dimension_numbers<[1], [0], [0], [1], [0, 0, 1, 1], [], []>, precision = #tpu.contract_precision<fp32>, transpose_lhs_hint = false} : vector<512x16xf32>, vector<16x1024xf32>, vector<512x1024xf32> -> vector<512x1024xf32>
    %argmax3A_184 = tpu.reduce_index %dot_general3A_183 {axis = 0 : i32, kind = #tpu.reduction_kind<arg_max>} : vector<512x1024xf32> -> vector<1024xi32>
    %swap3A_185 = arith.constant 2 : index
    %swap3A_186 = arith.constant 0 : index
    %swap3A_187 = arith.constant 0 : index
    %swap3A_188 = vector.load %arg3[%swap3A_185, %swap3A_186, %swap3A_187] : memref<4x4x1024xi32, #tpu.memory_space<vmem>>, vector<1x1x1024xi32>
    %swap3A_189 = vector.shape_cast %swap3A_188 : vector<1x1x1024xi32> to vector<1024xi32>
    %swap3A_190 = vector.shape_cast %argmax3A_184 : vector<1024xi32> to vector<1x1x1024xi32>
    tpu.vector_store %arg3[%swap3A_185, %swap3A_186, %swap3A_187], %swap3A_190 {strides = array<i32>} : memref<4x4x1024xi32, #tpu.memory_space<vmem>>, vector<1x1x1024xi32>,
    %slice3A_191 = vector.extract_strided_slice %sub3A_177 {offsets = [8, 0], sizes = [8, 1024], strides = [1, 1]} : vector<32x1024xf32> to vector<8x1024xf32>
    %slice3A_192 = vector.extract_strided_slice %mul3A_178 {offsets = [8, 0], sizes = [8, 1024], strides = [1, 1]} : vector<32x1024xf32> to vector<8x1024xf32>
    %concatenate3A_193 = tpu.concatenate %slice3A_191, %slice3A_192 in 0 : vector<8x1024xf32>, vector<8x1024xf32> -> vector<16x1024xf32>
    %dot_general3A_194 = arith.constant dense<0.000000e+00> : vector<512x1024xf32>
    %dot_general3A_195 = tpu.matmul %concatenate3A, %concatenate3A_193, %dot_general3A_194 {dimension_numbers = #tpu.dot_dimension_numbers<[1], [0], [0], [1], [0, 0, 1, 1], [], []>, precision = #tpu.contract_precision<fp32>, transpose_lhs_hint = false} : vector<512x16xf32>, vector<16x1024xf32>, vector<512x1024xf32> -> vector<512x1024xf32>
    %argmax3A_196 = tpu.reduce_index %dot_general3A_195 {axis = 0 : i32, kind = #tpu.reduction_kind<arg_max>} : vector<512x1024xf32> -> vector<1024xi32>
    %swap3A_197 = arith.constant 2 : index
    %swap3A_198 = arith.constant 1 : index
    %swap3A_199 = arith.constant 0 : index
    %swap3A_200 = vector.load %arg3[%swap3A_197, %swap3A_198, %swap3A_199] : memref<4x4x1024xi32, #tpu.memory_space<vmem>>, vector<1x1x1024xi32>
    %swap3A_201 = vector.shape_cast %swap3A_200 : vector<1x1x1024xi32> to vector<1024xi32>
    %swap3A_202 = vector.shape_cast %argmax3A_196 : vector<1024xi32> to vector<1x1x1024xi32>
    tpu.vector_store %arg3[%swap3A_197, %swap3A_198, %swap3A_199], %swap3A_202 {strides = array<i32>} : memref<4x4x1024xi32, #tpu.memory_space<vmem>>, vector<1x1x1024xi32>,
    %slice3A_203 = vector.extract_strided_slice %sub3A_177 {offsets = [16, 0], sizes = [8, 1024], strides = [1, 1]} : vector<32x1024xf32> to vector<8x1024xf32>
    %slice3A_204 = vector.extract_strided_slice %mul3A_178 {offsets = [16, 0], sizes = [8, 1024], strides = [1, 1]} : vector<32x1024xf32> to vector<8x1024xf32>
    %concatenate3A_205 = tpu.concatenate %slice3A_203, %slice3A_204 in 0 : vector<8x1024xf32>, vector<8x1024xf32> -> vector<16x1024xf32>
    %dot_general3A_206 = arith.constant dense<0.000000e+00> : vector<512x1024xf32>
    %dot_general3A_207 = tpu.matmul %concatenate3A, %concatenate3A_205, %dot_general3A_206 {dimension_numbers = #tpu.dot_dimension_numbers<[1], [0], [0], [1], [0, 0, 1, 1], [], []>, precision = #tpu.contract_precision<fp32>, transpose_lhs_hint = false} : vector<512x16xf32>, vector<16x1024xf32>, vector<512x1024xf32> -> vector<512x1024xf32>
    %argmax3A_208 = tpu.reduce_index %dot_general3A_207 {axis = 0 : i32, kind = #tpu.reduction_kind<arg_max>} : vector<512x1024xf32> -> vector<1024xi32>
    %swap3A_209 = arith.constant 2 : index
    %swap3A_210 = arith.constant 2 : index
    %swap3A_211 = arith.constant 0 : index
    %swap3A_212 = vector.load %arg3[%swap3A_209, %swap3A_210, %swap3A_211] : memref<4x4x1024xi32, #tpu.memory_space<vmem>>, vector<1x1x1024xi32>
    %swap3A_213 = vector.shape_cast %swap3A_212 : vector<1x1x1024xi32> to vector<1024xi32>
    %swap3A_214 = vector.shape_cast %argmax3A_208 : vector<1024xi32> to vector<1x1x1024xi32>
    tpu.vector_store %arg3[%swap3A_209, %swap3A_210, %swap3A_211], %swap3A_214 {strides = array<i32>} : memref<4x4x1024xi32, #tpu.memory_space<vmem>>, vector<1x1x1024xi32>,
    %slice3A_215 = vector.extract_strided_slice %sub3A_177 {offsets = [24, 0], sizes = [8, 1024], strides = [1, 1]} : vector<32x1024xf32> to vector<8x1024xf32>
    %slice3A_216 = vector.extract_strided_slice %mul3A_178 {offsets = [24, 0], sizes = [8, 1024], strides = [1, 1]} : vector<32x1024xf32> to vector<8x1024xf32>
    %concatenate3A_217 = tpu.concatenate %slice3A_215, %slice3A_216 in 0 : vector<8x1024xf32>, vector<8x1024xf32> -> vector<16x1024xf32>
    %dot_general3A_218 = arith.constant dense<0.000000e+00> : vector<512x1024xf32>
    %dot_general3A_219 = tpu.matmul %concatenate3A, %concatenate3A_217, %dot_general3A_218 {dimension_numbers = #tpu.dot_dimension_numbers<[1], [0], [0], [1], [0, 0, 1, 1], [], []>, precision = #tpu.contract_precision<fp32>, transpose_lhs_hint = false} : vector<512x16xf32>, vector<16x1024xf32>, vector<512x1024xf32> -> vector<512x1024xf32>
    %argmax3A_220 = tpu.reduce_index %dot_general3A_219 {axis = 0 : i32, kind = #tpu.reduction_kind<arg_max>} : vector<512x1024xf32> -> vector<1024xi32>
    %swap3A_221 = arith.constant 2 : index
    %swap3A_222 = arith.constant 3 : index
    %swap3A_223 = arith.constant 0 : index
    %swap3A_224 = vector.load %arg3[%swap3A_221, %swap3A_222, %swap3A_223] : memref<4x4x1024xi32, #tpu.memory_space<vmem>>, vector<1x1x1024xi32>
    %swap3A_225 = vector.shape_cast %swap3A_224 : vector<1x1x1024xi32> to vector<1024xi32>
    %swap3A_226 = vector.shape_cast %argmax3A_220 : vector<1024xi32> to vector<1x1x1024xi32>
    tpu.vector_store %arg3[%swap3A_221, %swap3A_222, %swap3A_223], %swap3A_226 {strides = array<i32>} : memref<4x4x1024xi32, #tpu.memory_space<vmem>>, vector<1x1x1024xi32>,
    %exp3A_227 = math.exp %min3A_170 : vector<32x1024xf32>
    %mul3A_228 = arith.mulf %slice3A_163, %slice3A_163 : vector<32x1024xf32>
    %add3A_229 = arith.addf %mul3A_228, %exp3A_227 : vector<32x1024xf32>
    %sub3A_230 = arith.constant 1.000000e+00 : f32
    %sub3A_231 = vector.broadcast %sub3A_230 : f32 to vector<32x1024xf32>
    %sub3A_232 = arith.subf %add3A_229, %sub3A_231 : vector<32x1024xf32>
    %sub3A_233 = arith.subf %sub3A_232, %min3A_170 : vector<32x1024xf32>
    %reduce_sum3A_234 = vector.shape_cast %sub3A_233 : vector<32x1024xf32> to vector<1x32x1024xf32>
    %reduce_sum3A_235 = arith.constant dense<0.000000e+00> : vector<1xf32>
    %reduce_sum3A_236 = vector.multi_reduction <add>, %reduce_sum3A_234, %reduce_sum3A_235 [1, 2] : vector<1x32x1024xf32> to vector<1xf32>
    %reduce_sum3A_237 = vector.shape_cast %reduce_sum3A_236 : vector<1xf32> to vector<1x1x1xf32>
    %reduce_sum3A_238 = vector.extract %reduce_sum3A_237[0, 0, 0] : f32 from vector<1x1x1xf32>
    %add3A_239 = arith.addf %add3A_157, %reduce_sum3A_238 : f32
    %get3A_240 = arith.constant 3 : index
    %get3A_241 = arith.constant 0 : index
    %get3A_242 = arith.constant 0 : index
    %get3A_243 = vector.load %arg2[%get3A_240, %get3A_241, %get3A_242] : memref<4x64x1024xf32, #tpu.memory_space<vmem>>, vector<1x64x1024xf32>
    %get3A_244 = vector.shape_cast %get3A_243 : vector<1x64x1024xf32> to vector<64x1024xf32>
    %slice3A_245 = vector.extract_strided_slice %get3A_244 {offsets = [0, 0], sizes = [32, 1024], strides = [1, 1]} : vector<64x1024xf32> to vector<32x1024xf32>
    %slice3A_246 = vector.extract_strided_slice %get3A_244 {offsets = [32, 0], sizes = [32, 1024], strides = [1, 1]} : vector<64x1024xf32> to vector<32x1024xf32>
    %jit3A_247 = arith.constant -3.000000e+01 : f32
    %jit3A_248 = arith.constant 2.000000e+01 : f32
    %max3A_249 = vector.broadcast %jit3A_247 : f32 to vector<32x1024xf32>
    %max3A_250 = arith.maximumf %max3A_249, %slice3A_246 : vector<32x1024xf32>
    %min3A_251 = vector.broadcast %jit3A_248 : f32 to vector<32x1024xf32>
    %min3A_252 = arith.minimumf %min3A_251, %max3A_250 : vector<32x1024xf32>
    %neg3A_253 = arith.constant 0.000000e+00 : f32
    %neg3A_254 = vector.broadcast %neg3A_253 : f32 to vector<32x1024xf32>
    %neg3A_255 = arith.subf %neg3A_254, %min3A_252 : vector<32x1024xf32>
    %exp3A_256 = math.exp %neg3A_255 : vector<32x1024xf32>
    %sub3A_257 = arith.constant 1.000000e+00 : f32
    %sub3A_258 = vector.broadcast %sub3A_257 : f32 to vector<32x1024xf32>
    %sub3A_259 = arith.subf %sub3A_258, %exp3A_256 : vector<32x1024xf32>
    %mul3A_260 = arith.mulf %slice3A_245, %exp3A_256 : vector<32x1024xf32>
    %slice3A_261 = vector.extract_strided_slice %sub3A_259 {offsets = [0, 0], sizes = [8, 1024], strides = [1, 1]} : vector<32x1024xf32> to vector<8x1024xf32>
    %slice3A_262 = vector.extract_strided_slice %mul3A_260 {offsets = [0, 0], sizes = [8, 1024], strides = [1, 1]} : vector<32x1024xf32> to vector<8x1024xf32>
    %concatenate3A_263 = tpu.concatenate %slice3A_261, %slice3A_262 in 0 : vector<8x1024xf32>, vector<8x1024xf32> -> vector<16x1024xf32>
    %dot_general3A_264 = arith.constant dense<0.000000e+00> : vector<512x1024xf32>
    %dot_general3A_265 = tpu.matmul %concatenate3A, %concatenate3A_263, %dot_general3A_264 {dimension_numbers = #tpu.dot_dimension_numbers<[1], [0], [0], [1], [0, 0, 1, 1], [], []>, precision = #tpu.contract_precision<fp32>, transpose_lhs_hint = false} : vector<512x16xf32>, vector<16x1024xf32>, vector<512x1024xf32> -> vector<512x1024xf32>
    %argmax3A_266 = tpu.reduce_index %dot_general3A_265 {axis = 0 : i32, kind = #tpu.reduction_kind<arg_max>} : vector<512x1024xf32> -> vector<1024xi32>
    %swap3A_267 = arith.constant 3 : index
    %swap3A_268 = arith.constant 0 : index
    %swap3A_269 = arith.constant 0 : index
    %swap3A_270 = vector.load %arg3[%swap3A_267, %swap3A_268, %swap3A_269] : memref<4x4x1024xi32, #tpu.memory_space<vmem>>, vector<1x1x1024xi32>
    %swap3A_271 = vector.shape_cast %swap3A_270 : vector<1x1x1024xi32> to vector<1024xi32>
    %swap3A_272 = vector.shape_cast %argmax3A_266 : vector<1024xi32> to vector<1x1x1024xi32>
    tpu.vector_store %arg3[%swap3A_267, %swap3A_268, %swap3A_269], %swap3A_272 {strides = array<i32>} : memref<4x4x1024xi32, #tpu.memory_space<vmem>>, vector<1x1x1024xi32>,
    %slice3A_273 = vector.extract_strided_slice %sub3A_259 {offsets = [8, 0], sizes = [8, 1024], strides = [1, 1]} : vector<32x1024xf32> to vector<8x1024xf32>
    %slice3A_274 = vector.extract_strided_slice %mul3A_260 {offsets = [8, 0], sizes = [8, 1024], strides = [1, 1]} : vector<32x1024xf32> to vector<8x1024xf32>
    %concatenate3A_275 = tpu.concatenate %slice3A_273, %slice3A_274 in 0 : vector<8x1024xf32>, vector<8x1024xf32> -> vector<16x1024xf32>
    %dot_general3A_276 = arith.constant dense<0.000000e+00> : vector<512x1024xf32>
    %dot_general3A_277 = tpu.matmul %concatenate3A, %concatenate3A_275, %dot_general3A_276 {dimension_numbers = #tpu.dot_dimension_numbers<[1], [0], [0], [1], [0, 0, 1, 1], [], []>, precision = #tpu.contract_precision<fp32>, transpose_lhs_hint = false} : vector<512x16xf32>, vector<16x1024xf32>, vector<512x1024xf32> -> vector<512x1024xf32>
    %argmax3A_278 = tpu.reduce_index %dot_general3A_277 {axis = 0 : i32, kind = #tpu.reduction_kind<arg_max>} : vector<512x1024xf32> -> vector<1024xi32>
    %swap3A_279 = arith.constant 3 : index
    %swap3A_280 = arith.constant 1 : index
    %swap3A_281 = arith.constant 0 : index
    %swap3A_282 = vector.load %arg3[%swap3A_279, %swap3A_280, %swap3A_281] : memref<4x4x1024xi32, #tpu.memory_space<vmem>>, vector<1x1x1024xi32>
    %swap3A_283 = vector.shape_cast %swap3A_282 : vector<1x1x1024xi32> to vector<1024xi32>
    %swap3A_284 = vector.shape_cast %argmax3A_278 : vector<1024xi32> to vector<1x1x1024xi32>
    tpu.vector_store %arg3[%swap3A_279, %swap3A_280, %swap3A_281], %swap3A_284 {strides = array<i32>} : memref<4x4x1024xi32, #tpu.memory_space<vmem>>, vector<1x1x1024xi32>,
    %slice3A_285 = vector.extract_strided_slice %sub3A_259 {offsets = [16, 0], sizes = [8, 1024], strides = [1, 1]} : vector<32x1024xf32> to vector<8x1024xf32>
    %slice3A_286 = vector.extract_strided_slice %mul3A_260 {offsets = [16, 0], sizes = [8, 1024], strides = [1, 1]} : vector<32x1024xf32> to vector<8x1024xf32>
    %concatenate3A_287 = tpu.concatenate %slice3A_285, %slice3A_286 in 0 : vector<8x1024xf32>, vector<8x1024xf32> -> vector<16x1024xf32>
    %dot_general3A_288 = arith.constant dense<0.000000e+00> : vector<512x1024xf32>
    %dot_general3A_289 = tpu.matmul %concatenate3A, %concatenate3A_287, %dot_general3A_288 {dimension_numbers = #tpu.dot_dimension_numbers<[1], [0], [0], [1], [0, 0, 1, 1], [], []>, precision = #tpu.contract_precision<fp32>, transpose_lhs_hint = false} : vector<512x16xf32>, vector<16x1024xf32>, vector<512x1024xf32> -> vector<512x1024xf32>
    %argmax3A_290 = tpu.reduce_index %dot_general3A_289 {axis = 0 : i32, kind = #tpu.reduction_kind<arg_max>} : vector<512x1024xf32> -> vector<1024xi32>
    %swap3A_291 = arith.constant 3 : index
    %swap3A_292 = arith.constant 2 : index
    %swap3A_293 = arith.constant 0 : index
    %swap3A_294 = vector.load %arg3[%swap3A_291, %swap3A_292, %swap3A_293] : memref<4x4x1024xi32, #tpu.memory_space<vmem>>, vector<1x1x1024xi32>
    %swap3A_295 = vector.shape_cast %swap3A_294 : vector<1x1x1024xi32> to vector<1024xi32>
    %swap3A_296 = vector.shape_cast %argmax3A_290 : vector<1024xi32> to vector<1x1x1024xi32>
    tpu.vector_store %arg3[%swap3A_291, %swap3A_292, %swap3A_293], %swap3A_296 {strides = array<i32>} : memref<4x4x1024xi32, #tpu.memory_space<vmem>>, vector<1x1x1024xi32>,
    %slice3A_297 = vector.extract_strided_slice %sub3A_259 {offsets = [24, 0], sizes = [8, 1024], strides = [1, 1]} : vector<32x1024xf32> to vector<8x1024xf32>
    %slice3A_298 = vector.extract_strided_slice %mul3A_260 {offsets = [24, 0], sizes = [8, 1024], strides = [1, 1]} : vector<32x1024xf32> to vector<8x1024xf32>
    %concatenate3A_299 = tpu.concatenate %slice3A_297, %slice3A_298 in 0 : vector<8x1024xf32>, vector<8x1024xf32> -> vector<16x1024xf32>
    %dot_general3A_300 = arith.constant dense<0.000000e+00> : vector<512x1024xf32>
    %dot_general3A_301 = tpu.matmul %concatenate3A, %concatenate3A_299, %dot_general3A_300 {dimension_numbers = #tpu.dot_dimension_numbers<[1], [0], [0], [1], [0, 0, 1, 1], [], []>, precision = #tpu.contract_precision<fp32>, transpose_lhs_hint = false} : vector<512x16xf32>, vector<16x1024xf32>, vector<512x1024xf32> -> vector<512x1024xf32>
    %argmax3A_302 = tpu.reduce_index %dot_general3A_301 {axis = 0 : i32, kind = #tpu.reduction_kind<arg_max>} : vector<512x1024xf32> -> vector<1024xi32>
    %swap3A_303 = arith.constant 3 : index
    %swap3A_304 = arith.constant 3 : index
    %swap3A_305 = arith.constant 0 : index
    %swap3A_306 = vector.load %arg3[%swap3A_303, %swap3A_304, %swap3A_305] : memref<4x4x1024xi32, #tpu.memory_space<vmem>>, vector<1x1x1024xi32>
    %swap3A_307 = vector.shape_cast %swap3A_306 : vector<1x1x1024xi32> to vector<1024xi32>
    %swap3A_308 = vector.shape_cast %argmax3A_302 : vector<1024xi32> to vector<1x1x1024xi32>
    tpu.vector_store %arg3[%swap3A_303, %swap3A_304, %swap3A_305], %swap3A_308 {strides = array<i32>} : memref<4x4x1024xi32, #tpu.memory_space<vmem>>, vector<1x1x1024xi32>,
    %exp3A_309 = math.exp %min3A_252 : vector<32x1024xf32>
    %mul3A_310 = arith.mulf %slice3A_245, %slice3A_245 : vector<32x1024xf32>
    %add3A_311 = arith.addf %mul3A_310, %exp3A_309 : vector<32x1024xf32>
    %sub3A_312 = arith.constant 1.000000e+00 : f32
    %sub3A_313 = vector.broadcast %sub3A_312 : f32 to vector<32x1024xf32>
    %sub3A_314 = arith.subf %add3A_311, %sub3A_313 : vector<32x1024xf32>
    %sub3A_315 = arith.subf %sub3A_314, %min3A_252 : vector<32x1024xf32>
    %reduce_sum3A_316 = vector.shape_cast %sub3A_315 : vector<32x1024xf32> to vector<1x32x1024xf32>
    %reduce_sum3A_317 = arith.constant dense<0.000000e+00> : vector<1xf32>
    %reduce_sum3A_318 = vector.multi_reduction <add>, %reduce_sum3A_316, %reduce_sum3A_317 [1, 2] : vector<1x32x1024xf32> to vector<1xf32>
    %reduce_sum3A_319 = vector.shape_cast %reduce_sum3A_318 : vector<1xf32> to vector<1x1x1xf32>
    %reduce_sum3A_320 = vector.extract %reduce_sum3A_319[0, 0, 0] : f32 from vector<1x1x1xf32>
    %add3A_321 = arith.addf %add3A_239, %reduce_sum3A_320 : f32
    %eq3A = arith.constant 0 : i32
    %eq3A_322 = arith.cmpi eq, %arg0, %eq3A : i32
    %convert_element_type3A = arith.extui %eq3A_322 : i1 to i32
    %cond3A = arith.constant 0 : i32
    %cond3A_323 = arith.cmpi ne, %convert_element_type3A, %cond3A : i32
    scf.if %cond3A_323 {
      %swap3A_333 = arith.constant 0.000000e+00 : f32
      %swap3A_334 = arith.constant 0 : index
      %swap3A_335 = arith.constant 0 : index
      %swap3A_336 = memref.load %arg4[%swap3A_334, %swap3A_335] : memref<1x1xf32, #tpu.memory_space<smem>>
      memref.store %swap3A_333, %arg4[%swap3A_334, %swap3A_335] : memref<1x1xf32, #tpu.memory_space<smem>>
    } else {
    }
    %get3A_324 = arith.constant 0 : index
    %get3A_325 = arith.constant 0 : index
    %get3A_326 = memref.load %arg4[%get3A_324, %get3A_325] : memref<1x1xf32, #tpu.memory_space<smem>>
    %mul3A_327 = arith.constant 2.20123293E-5 : f32
    %mul3A_328 = arith.mulf %add3A_321, %mul3A_327 : f32
    %add3A_329 = arith.addf %get3A_326, %mul3A_328 : f32
    %swap3A_330 = arith.constant 0 : index
    %swap3A_331 = arith.constant 0 : index
    %swap3A_332 = memref.load %arg4[%swap3A_330, %swap3A_331] : memref<1x1xf32, #tpu.memory_space<smem>>
    memref.store %add3A_329, %arg4[%swap3A_330, %swap3A_331] : memref<1x1xf32, #tpu.memory_space<smem>>
    return
  }
  func.func @transform_0(%arg0: i32) -> (i32, i32) {
    %c0_i32 = arith.constant 0 : i32
    %c0_i32_0 = arith.constant 0 : i32
    %c0_i32_1 = arith.constant 0 : i32
    return %c0_i32, %c0_i32_0 : i32, i32
  }
  func.func @transform_1(%arg0: i32) -> (i32, i32, i32) {
    %c0_i32 = arith.constant 0 : i32
    %c0_i32_0 = arith.constant 0 : i32
    %c0_i32_1 = arith.constant 0 : i32
    return %arg0, %c0_i32, %c0_i32_0 : i32, i32, i32
  }
  func.func @transform_2(%arg0: i32) -> (i32, i32, i32) {
    %c0_i32 = arith.constant 0 : i32
    %c0_i32_0 = arith.constant 0 : i32
    %c0_i32_1 = arith.constant 0 : i32
    return %arg0, %c0_i32, %c0_i32_0 : i32, i32, i32
  }
  func.func @transform_3(%arg0: i32) -> (i32, i32) {
    %c0_i32 = arith.constant 0 : i32
    %c0_i32_0 = arith.constant 0 : i32
    %c0_i32_1 = arith.constant 0 : i32
    return %c0_i32, %c0_i32_0 : i32, i32
  }
}

</mosaic_0001>

<sc_bundles>
// kernel: kernel.4.cloned.1.call-start
scs
__scs_entry_jumppad:
0x0: {  	(pc) =	sbr.rel $0x88, $3  }
0x1: {  	(tag) =	ssettag $0x0;
	lr =	simm.s32 $0x1  }
0x2: {  	[smem:$0x3F9F] =	sst lr;
	_ =	strace $0xD0000000  }
0x3: {  	_ = 	snop  }
0x4: {  	_ = 	snop  }
0x5: {  	_ = 	snop  }
0x6: {  	_ = 	snop  }
0x7: {  	_ = 	snop  }
__scs_overlays_trampoline_lowered:
0x8: {  	[smem:$0x3FAE] =	sst s0  }
0x9: {  	[smem:$0x3FAF] =	sst s1  }
0xa: {  	[smem:$0x3FB0] =	sst s2  }
0xb: {  	[smem:$0x3FB1] =	sst s3  }
0xc: {  	[smem:$0x3FB2] =	sst s4  }
0xd: {  	[smem:$0x3FB3] =	sst s5  }
0xe: {  	[smem:$0x3FB4] =	sst s6  }
0xf: {  	[smem:$0x3FB5] =	sst s7  }
0x10: {  	[smem:$0x3FB6] =	sst s8  }
0x11: {  	[smem:$0x3FB7] =	sst s9;
	s0 =	simm.s32 @!p0 $0x0  }
0x12: {  	s1 =	sld [smem:$0x3F9D];
	s0 =	simm.s32 @p0 $0x1  }
0x13: {  	[smem:$0x3FB8] =	sst s0;
	s0 =	simm.s32 @!p1 $0x0  }
0x14: {  	s2 =	sld [smem:$0x3F9C];
	s0 =	simm.s32 @p1 $0x1  }
0x15: {  	[smem:$0x3FB9] =	sst s0;
	s0 =	simm.s32 @!p2 $0x0  }
0x16: {  	s3 =	sld [smem:$0x3FDB];
	s0 =	simm.s32 @p2 $0x1  }
0x17: {  	s4 =	simm.s32 $0x1BF5;
	[smem:$0x3FBB] =	sst s0  }
0x18: {  	s0 =	sld [smem:$0x3F9E];
	_ =	swait.ge [sflag:s4], $0x0  }
0x19: {  	s7 =	sld [smem:$0x3F9F]  }
0x1a: {  	s8 =	sadd.s32 $0xFFFFE003, lr  }
0x1b: {  	s9 =	sadd.s32 $0xFFFFFEF7, lr;
	s5 =	simm.s32 $0xFFFFFFFF;
	p2 =	slt.u32 s8, $0xFFFFF086  }
0x1c: {  	p1 =	slt.u32 s9, $0xF7A;
	s5 =	simm.s32 @!p2 $0x0  }
0x1d: {  	s5 =	simm.s32 @p1 $0x1;
	p0 =	seq.s32 s7, s2  }
0x1e: {  	s7 =	smul.u32 @!p0 $0xF7A, s2;
	p2 =	seq.s32 @!p0 s5, $0x0  }
0x1f: {  	s9 =	smul.u32 $0xF7A, s1;
	s8 =	simm.s32 @!p0 $0x1BF5;
	p2 =	por !p2, p0  }
0x20: {  	[sflag:s8] =	ssyncset.s32 @!p0 $0xFFFFF086;
	s6 =	sadd.s32 @!p0 s3, s7;
	s7 =	simm.s32 @!p0 $0x108  }
0x21: {  	s3 =	sadd.s32 s3, s9;
	s6 =	sadd.s32 @!p0 $0x88, s6;
	s7 =	simm.s32 @p2 $0x1082  }
0x22: {  	[simem:s7], [sflag:s8] =	dma.local @!p0 [hbm:s6], $0xF7A  }
0x23: {  	s9 =	sor.u32 $0xD0000000, s2;
	s6 =	simm.s32 $0x108;
	_ =	swait.ge @!p0 [sflag:s8], $0x0  }
0x24: {  	s3 =	sadd.s32 $0x88, s3;
	s6 =	simm.s32 @!p1 $0x1082;
	[sflag:s4] =	ssyncset.s32 $0xFFFFF086  }
0x25: {  	[simem:s6], [sflag:s4] =	dma.local [hbm:s3], $0xF7A  }
0x26: {  	[smem:$0x3F9F] =	sst s1;
	(tag) =	ssettag s2;
	_ =	strace s9  }
0x27: {  	s1 =	sld [smem:$0x3FAF]  }
0x28: {  	s2 =	sld [smem:$0x3FB0]  }
0x29: {  	s4 =	sld [smem:$0x3FB2]  }
0x2a: {  	p0 =	seq.s32 s5, $0x0;
	s5 =	sld [smem:$0x3FB3]  }
0x2b: {  	s6 =	sld [smem:$0x3FB4]  }
0x2c: {  	s7 =	sld [smem:$0x3FB5]  }
0x2d: {  	s3 =	simm.s32 $0x108;
	s8 =	sld [smem:$0x3FB6]  }
0x2e: {  	s3 =	simm.s32 @!p0 $0x1082;
	s9 =	sld [smem:$0x3FB7]  }
0x2f: {  	lr =	sadd.s32 s0, s3;
	s0 =	sld [smem:$0x3FAE]  }
0x30: {  	s3 =	sld [smem:$0x3FB1]  }
0x31: {  	[smem:$0x3FBA] =	sst s10  }
0x32: {  	s10 =	sld [smem:$0x3FB8];
	_ =	sdelay $0x3  }
0x33: {  	p0 =	seq.s32 s10, $0x1;
	s10 =	sld [smem:$0x3FBA];
	_ =	sdelay $0x3  }
0x34: {  	[smem:$0x3FBA] =	sst s10  }
0x35: {  	s10 =	sld [smem:$0x3FB9];
	_ =	sdelay $0x3  }
0x36: {  	p1 =	seq.s32 s10, $0x1;
	s10 =	sld [smem:$0x3FBA];
	_ =	sdelay $0x3  }
0x37: {  	[smem:$0x3FBA] =	sst s10  }
0x38: {  	s10 =	sld [smem:$0x3FBB]  }
0x39: {  	_ = 	snop;
	(pc) =	sbr.ind lr, $3  }
0x3a: {  	_ = 	snop  }
0x3b: {  	_ = 	snop  }
0x3c: {  	p2 =	seq.s32 s10, $0x1;
	s10 =	sld [smem:$0x3FBA]  }
0x3d: {  	_ =	shalt  }
0x3e: {  	_ =	shalt  }
0x3f: {  	_ =	shalt  }
0x40: {  	_ =	shalt  }
0x41: {  	_ =	shalt  }
0x42: {  	_ =	shalt  }
0x43: {  	_ =	shalt  }
0x44: {  	_ =	shalt  }
0x45: {  	_ =	shalt  }
0x46: {  	_ =	shalt  }
0x47: {  	_ =	shalt  }
0x48: {  	_ =	shalt  }
0x49: {  	_ =	shalt  }
0x4a: {  	_ =	shalt  }
0x4b: {  	_ =	shalt  }
0x4c: {  	_ =	shalt  }
0x4d: {  	_ =	shalt  }
0x4e: {  	_ =	shalt  }
0x4f: {  	_ =	shalt  }
0x50: {  	_ =	shalt  }
0x51: {  	_ =	shalt  }
0x52: {  	_ =	shalt  }
0x53: {  	_ =	shalt  }
0x54: {  	_ =	shalt  }
0x55: {  	_ =	shalt  }
0x56: {  	_ =	shalt  }
0x57: {  	_ =	shalt  }
0x58: {  	_ =	shalt  }
0x59: {  	_ =	shalt  }
0x5a: {  	_ =	shalt  }
0x5b: {  	_ =	shalt  }
0x5c: {  	_ =	shalt  }
0x5d: {  	_ =	shalt  }
0x5e: {  	_ =	shalt  }
0x5f: {  	_ =	shalt  }
0x60: {  	_ =	shalt  }
0x61: {  	_ =	shalt  }
0x62: {  	_ =	shalt  }
0x63: {  	_ =	shalt  }
0x64: {  	_ =	shalt  }
0x65: {  	_ =	shalt  }
0x66: {  	_ =	shalt  }
0x67: {  	_ =	shalt  }
0x68: {  	_ =	shalt  }
0x69: {  	_ =	shalt  }
0x6a: {  	_ =	shalt  }
0x6b: {  	_ =	shalt  }
0x6c: {  	_ =	shalt  }
0x6d: {  	_ =	shalt  }
0x6e: {  	_ =	shalt  }
0x6f: {  	_ =	shalt  }
0x70: {  	_ =	shalt  }
0x71: {  	_ =	shalt  }
0x72: {  	_ =	shalt  }
0x73: {  	_ =	shalt  }
0x74: {  	_ =	shalt  }
0x75: {  	_ =	shalt  }
0x76: {  	_ =	shalt  }
0x77: {  	_ =	shalt  }
0x78: {  	_ =	shalt  }
0x79: {  	_ =	shalt  }
0x7a: {  	_ =	shalt  }
0x7b: {  	_ =	shalt  }
0x7c: {  	_ =	shalt  }
0x7d: {  	_ =	shalt  }
0x7e: {  	_ =	shalt  }
0x7f: {  	_ =	shalt  }
0x80: {  	_ =	shalt  }
0x81: {  	_ =	shalt  }
0x82: {  	_ =	shalt  }
0x83: {  	_ =	shalt  }
0x84: {  	_ =	shalt  }
0x85: {  	_ =	shalt  }
0x86: {  	_ =	shalt  }
0x87: {  	_ =	shalt  }
.Lfunc_end0:
.L_simem_size_0:
called_computation_lowered:
.L_overlay_start_0:
0x88: {  	s2 =	sld [smem:$0x3FD9]  }
0x89: {  	s3 =	sld [smem:$0x3FFE];
	_ =	sdelay $0x1  }
0x8a: {  	s1 =	srdreg.scid  }
0x8b: {  	s0 =	sand.u32 $0x1, s1  }
0x8c: {  	s14 =	sshll.u32 s0, $0xA;
	s2 =	sadd.s32 s3, s2  }
0x8d: {  	s2 =	sadd.s32 s2, s14  }
0x8e: {  	[smem:$0x3FC6] =	sst s2  }
0x8f: {  	_ = 	snop  }
0x90: {  	s2 =	sld [smem:$0x3FD0];
	_ =	sdelay $0x2  }
0x91: {  	s15 =	simm.s32 $0xA;
	s4 =	simm.s32 $0x10  }
0x92: {  	[smem:s4], [sflag:s15] =	dma.local [hbm:s2], $0x1  }
0x93: {  	_ =	swait.eq [sflag:s15], $0x1  }
0x94: {  	[sflag:s15] =	ssyncset.done $0x0  }
0x95: {  	[sflag:s15] =	ssyncadd.s32 $0xFFFFFFFF  }
0x96: {  	s16 =	sld [smem:$0x10];
	(tm) =	ssettm $0x1  }
0x97: {  	s17 =	sld [smem:$0x3FFB];
	_ =	sdelay $0x3  }
0x98: {  	_ =	strace s17  }
0x99: {  	s3 =	sld [smem:$0x3FFC];
	_ =	sdelay $0x3  }
0x9a: {  	_ =	strace s3  }
0x9b: {  	s3 =	sld [smem:$0x3FFD];
	_ =	sdelay $0x3  }
0x9c: {  	_ =	strace s3  }
0x9d: {  	_ =	strace $0x8FFFFFFF  }
0x9e: {  	s18 =	sld [smem:$0x3FDB];
	_ =	sdelay $0x1  }
0x9f: {  	s19 =	simm.s32 $_scs_section_size  }
0xa0: {  	s5 =	simm.s32 $_size__tile_overlayer_lowered;
	s6 =	simm.s32 $_tile_overlayer_lowered  }
0xa1: {  	s22 =	simm.s32 $0x1BFF;
	s21 =	sshll.u32 s6, $0x1;
	s3 =	sadd.s32 s19, s18  }
0xa2: {  	s7 =	simm.s32 $0x0;
	s20 =	sshll.u32 s5, $0x1;
	s5 =	sadd.s32 s21, s3  }
0xa3: {  	[timem:s7], [sflag:s22] =	dma.local [hbm:s5], s20  }
0xa4: {  	_ =	swait.ge [sflag:s22], s20  }
0xa5: {  	s4 =	ssub.s32 $0x0, s20;
	[sflag:s22] =	ssyncset.done $0x0  }
0xa6: {  	[sflag:s22] =	ssyncadd.s32 s4;
	_ =	sdelay $0x1  }
0xa7: {  	s23 =	simm.s32 $0x1B8B  }
0xa8: {  	_ =	swait.ge [sflag:s23], $0x1  }
0xa9: {  	[sflag:s23] =	ssyncset.done $0x0  }
0xaa: {  	s25 =	simm.s32 $0x1B8E;
	s24 =	sld [smem:$0x3FFE];
	[sflag:s23] =	ssyncadd.s32 $0xFFFFFFFF  }
0xab: {  	s26 =	simm.s32 $execute0_lowered;
	[smem:$0x3FD2] =	sst s25  }
0xac: {  	s5 =	sshll.u32 s26, $0x1;
	_ =	strace $0x80000046;
	[dreg:$0x1] =	wrdreg $0xFFFFFFFF  }
0xad: {  	s28 =	simm.s32 $_size_execute0_lowered;
	s3 =	sadd.s32 s3, s5;
	[dreg:$0x0] =	wrdreg $0x0  }
0xae: {  	s5 =	sshll.u32 s28, $0x1;
	[dreg:$0x2] =	wrdreg s3  }
0xaf: {  	[dreg:$0x3] =	wrdreg s5  }
0xb0: {  	[dreg:$0x4] =	wrdreg $0xC0  }
0xb1: {  	_ =	task [dreg:s7], $0x5FFFF  }
0xb2: {  	[dreg:$0x1] =	wrdreg $0xFFFFFFFF  }
0xb3: {  	[dreg:$0x0] =	wrdreg $0x60  }
0xb4: {  	[dreg:$0x2] =	wrdreg s16  }
0xb5: {  	[dreg:$0x3] =	wrdreg s24  }
0xb6: {  	[dreg:$0x4] =	wrdreg $0x9  }
0xb7: {  	_ =	task.clear_ibuf [dreg:s7], $0x5FFFF;
	_ =	strace $0x90000046  }
0xb8: {  	s29 =	simm.s32 $0x9;
	_ =	strace $0x80000048  }
0xb9: {  	_ =	swait.ge [sflag:s29], $0x1  }
0xba: {  	[sflag:s29] =	ssyncadd.s32 $0xFFFFFFFF  }
0xbb: {  	_ =	strace $0x90000048  }
0xbc: {  	_ =	sfence  }
0xbd: {  	s30 =	sld [smem:$0x0];
	_ =	sdelay $0x2  }
0xbe: {  	s31 =	sshll.u32 s1, $0xD;
	s1 =	sshrl.u32 s1, $0x2  }
0xbf: {  	s3 =	sand.u32 $0x4000, s31;
	s1 =	sadd.s32 s1, s30  }
0xc0: {  	s0 =	sor.u32 s3, s0;
	s1 =	sshll.u32 s1, $0x11  }
0xc1: {  	s0 =	sor.u32 s1, s0  }
0xc2: {  	s0 =	sadd.s32 $0x8F2B, s0  }
0xc3: {  	[sflag:s0] =	ssyncadd.remote.s32 $0x1  }
0xc4: {  	_ =	sfence.sel $0xFFFF  }
0xc5: {  	[dreg:$0x0] =	wrdreg $0xFFFFFFFF;
	(pc) =	sbr.abs _section_cstart, $3  }
0xc6: {  	[dreg:$0x1] =	wrdreg $0xFFFFFFFF  }
0xc7: {  	_ =	task.clear_ibuf [dreg:s7], $0x2FFFF;
	_ =	strace $0x9FFFFFFF  }
0xc8: {  	(tm) =	ssettm $0x7FFFFFFF  }
0xc9: {  	_ =	shalt  }
tec
execute0_lowered:
.L_overlay_start_1:
0x0: {  	(tag) =	ssettag $0x1  }
0x1: {  	s4 =	rddreg [dreg:$0x0]  }
0x2: {  	s5 =	rddreg [dreg:$0x1]  }
0x3: {  	s0 =	rddreg [dreg:$0x2];
	s2 =	simm.s32 $0x0;
	s1 =	stileid.u32  }
0x4: {  	s7 =	srdreg.scid;
	s11 =	simm.s32 $0x2;
	s12 =	simm.s32 $0x1400  }
0x5: {  	s13 =	simm.s32 $0x3;
	s14 =	simm.s32 $0x0;
	[smem:$0x7FF] =	sst s2  }
0x6: {  	s3 =	sadd.s32 $0xC00, s5;
	s6 =	sshrl.u32 s1, $0x1;
	s8 =	sshll.u32 s1, $0x1  }
0x7: {  	s7 =	sand.u32 $0x1, s7;
	_ =	strace $0x80000047;
	s9 =	sshll.u32 s6, $0xC  }
0x8: {  	s8 =	sand.u32 $0x2, s8;
	s29 =	ssub.s32 $0x2, s7;
	s6 =	sshll.u32 s6, $0x9  }
0x9: {  	s5 =	sadd.s32 s9, s5;
	s7 =	sor.u32 s7, s8;
	s30 =	sshrl.u32 s29, $0x1  }
0xa: {  	s4 =	sadd.s32 s4, s6;
	s8 =	simm.s32 $0x80;
	s9 =	simm.s32 $0x200  }
0xb: {  	s10 =	sshll.u32 s7, $0xA;
	s7 =	sshll.u32 s7, $0x4;
	s31 =	ssub.s32 s29, s30  }
0xc: {  	s5 =	sadd.s32 s10, s5;
	s4 =	sadd.s32 s7, s4;
	s6 =	smax.u32 s31, $0x1  }
0xd: {  	s7 =	simm.s32 $0x400;
	s10 =	simm.s32 $0x1;
	s5 =	sadd.s32 $0xE00, s5  }
.LBB2_1:
0xe: {  	[tilespmem:s7], [sflag:$0x1] =	stream.linear.gather [hbm4b:s3+s2], $0x1000, $0x38;
	[tilespmem:$0x3400] =	vst v63  }
0xf: {  	_ = 	snop  }
0x10: {  	[tilespmem:s2], [sflag:$0x2] =	stream.strided.gather [hbm4b:s4+s8], $0x400, s9, s8, $0x38;
	[tilespmem:$0x3400] =	vst v63  }
0x11: {  	_ =	swait.ge [sflag:s10], $0x1000  }
0x12: {  	[sflag:s10] =	ssyncset.done $0x0  }
0x13: {  	[sflag:s10] =	ssyncadd.s32 $0xFFFFF000  }
0x14: {  	_ =	swait.ge [sflag:s11], $0x400  }
0x15: {  	p0 =	por $0x0, $0x0;
	s15 =	simm.s32 $0x0;
	[sflag:s11] =	ssyncset.done $0x0  }
0x16: {  	s16 =	simm.s32 $0x0;
	s17 =	simm.s32 $0x0;
	[sflag:s11] =	ssyncadd.s32 $0xFFFFFC00  }
.LBB2_2:
0x17: {  	v0 =	vld [tilespmem:s15+$0x0];
	_ =	sdelay $0x7  }
0x18: {  	v1 =	vld.idx.msk [tilespmem:v0+s7+$0x0], $0xffff  }
0x19: {  	v2 =	vadd.s32 $0x200, v0  }
0x1a: {  	s18 =	sand.u32 $0x1C00, s17  }
0x1b: {  	s20 =	sand.u32 $0x40, s16;
	s18 =	sadd.s32 $0x1400, s18  }
0x1c: {  	s19 =	sor.u32 s20, s18  }
0x1d: {  	[tilespmem:s19+$0x0] =	vst v1  }
0x1e: {  	v1 =	vld.idx.msk [tilespmem:v2+s7+$0x0], $0xffff  }
0x1f: {  	v41 =	vadd.s32 $0x400, v0;
	_ =	sdelay $0x3  }
0x20: {  	[tilespmem:s19+$0x80] =	vst v1  }
0x21: {  	v1 =	vld.idx.msk [tilespmem:v41+s7+$0x0], $0xffff  }
0x22: {  	v42 =	vadd.s32 $0x600, v0;
	_ =	sdelay $0x3  }
0x23: {  	[tilespmem:s19+$0x100] =	vst v1  }
0x24: {  	v1 =	vld.idx.msk [tilespmem:v42+s7+$0x0], $0xffff  }
0x25: {  	v43 =	vadd.s32 $0x800, v0;
	_ =	sdelay $0x3  }
0x26: {  	[tilespmem:s19+$0x180] =	vst v1  }
0x27: {  	s19 =	simm.s32 $0x1;
	v1 =	vld.idx.msk [tilespmem:v43+s7+$0x0], $0xffff  }
0x28: {  	v44 =	vadd.s32 $0xA00, v0;
	s19 =	simm.s32 @!p0 $0x0  }
0x29: {  	s19 =	sshll.u32 s19, $0x6  }
0x2a: {  	s19 =	sadd.s32 s19, s17  }
0x2b: {  	s21 =	sor.u32 $0x200, s19  }
0x2c: {  	[tilespmem:s21+$0x1400] =	vst v1  }
0x2d: {  	v1 =	vld.idx.msk [tilespmem:v44+s7+$0x0], $0xffff  }
0x2e: {  	v45 =	vadd.s32 $0xC00, v0;
	_ =	sdelay $0x2  }
0x2f: {  	s28 =	sor.u32 $0x280, s19  }
0x30: {  	[tilespmem:s28+$0x1400] =	vst v1  }
0x31: {  	v1 =	vld.idx.msk [tilespmem:v45+s7+$0x0], $0xffff  }
0x32: {  	v0 =	vadd.s32 $0xE00, v0;
	_ =	sdelay $0x2  }
0x33: {  	s29 =	sor.u32 $0x300, s19  }
0x34: {  	[tilespmem:s29+$0x1400] =	vst v1  }
0x35: {  	v0 =	vld.idx.msk [tilespmem:v0+s7+$0x0], $0xffff;
	_ =	sdelay $0x2  }
0x36: {  	s30 =	sor.u32 s17, s16  }
0x37: {  	s22 =	sor.u32 $0x380, s30;
	s23 =	sor.u32 $0x10, s20;
	s21 =	sand.u32 $0x380, s16  }
0x38: {  	s31 =	sor.u32 s23, s21;
	[tilespmem:s22+$0x1400] =	vst v0  }
0x39: {  	v0 =	vld [tilespmem:s31+$0x0];
	_ =	sdelay $0x7  }
0x3a: {  	v1 =	vld.idx.msk [tilespmem:v0+s7+$0x0], $0xffff  }
0x3b: {  	v46 =	vadd.s32 $0x200, v0;
	_ =	sdelay $0x2  }
0x3c: {  	s24 =	sor.u32 s23, s18  }
0x3d: {  	[tilespmem:s24+$0x0] =	vst v1  }
0x3e: {  	v1 =	vld.idx.msk [tilespmem:v46+s7+$0x0], $0xffff  }
0x3f: {  	v47 =	vadd.s32 $0x400, v0;
	_ =	sdelay $0x3  }
0x40: {  	[tilespmem:s24+$0x80] =	vst v1  }
0x41: {  	v1 =	vld.idx.msk [tilespmem:v47+s7+$0x0], $0xffff  }
0x42: {  	v48 =	vadd.s32 $0x600, v0;
	_ =	sdelay $0x3  }
0x43: {  	[tilespmem:s24+$0x100] =	vst v1  }
0x44: {  	v1 =	vld.idx.msk [tilespmem:v48+s7+$0x0], $0xffff  }
0x45: {  	v49 =	vadd.s32 $0x800, v0;
	_ =	sdelay $0x3  }
0x46: {  	[tilespmem:s24+$0x180] =	vst v1  }
0x47: {  	v1 =	vld.idx.msk [tilespmem:v49+s7+$0x0], $0xffff  }
0x48: {  	v50 =	vadd.s32 $0xA00, v0;
	_ =	sdelay $0x1  }
0x49: {  	s25 =	sadd.s32 $0x10, s19  }
0x4a: {  	s26 =	sor.u32 $0x200, s25  }
0x4b: {  	[tilespmem:s26+$0x1400] =	vst v1  }
0x4c: {  	v1 =	vld.idx.msk [tilespmem:v50+s7+$0x0], $0xffff  }
0x4d: {  	v51 =	vadd.s32 $0xC00, v0;
	_ =	sdelay $0x2  }
0x4e: {  	s28 =	sor.u32 $0x280, s25  }
0x4f: {  	[tilespmem:s28+$0x1400] =	vst v1  }
0x50: {  	v1 =	vld.idx.msk [tilespmem:v51+s7+$0x0], $0xffff  }
0x51: {  	v0 =	vadd.s32 $0xE00, v0;
	_ =	sdelay $0x2  }
0x52: {  	s29 =	sor.u32 $0x300, s25  }
0x53: {  	[tilespmem:s29+$0x1400] =	vst v1  }
0x54: {  	v0 =	vld.idx.msk [tilespmem:v0+s7+$0x0], $0xffff;
	_ =	sdelay $0x3  }
0x55: {  	s30 =	sor.u32 $0x20, s20;
	s22 =	sor.u32 $0x380, s25  }
0x56: {  	s31 =	sor.u32 s30, s21;
	[tilespmem:s22+$0x1400] =	vst v0  }
0x57: {  	v0 =	vld [tilespmem:s31+$0x0];
	_ =	sdelay $0x7  }
0x58: {  	v1 =	vld.idx.msk [tilespmem:v0+s7+$0x0], $0xffff  }
0x59: {  	v52 =	vadd.s32 $0x200, v0;
	_ =	sdelay $0x2  }
0x5a: {  	s23 =	sor.u32 s30, s18  }
0x5b: {  	[tilespmem:s23+$0x0] =	vst v1  }
0x5c: {  	v1 =	vld.idx.msk [tilespmem:v52+s7+$0x0], $0xffff  }
0x5d: {  	v53 =	vadd.s32 $0x400, v0;
	_ =	sdelay $0x3  }
0x5e: {  	[tilespmem:s23+$0x80] =	vst v1  }
0x5f: {  	v1 =	vld.idx.msk [tilespmem:v53+s7+$0x0], $0xffff  }
0x60: {  	v54 =	vadd.s32 $0x600, v0;
	_ =	sdelay $0x3  }
0x61: {  	[tilespmem:s23+$0x100] =	vst v1  }
0x62: {  	v1 =	vld.idx.msk [tilespmem:v54+s7+$0x0], $0xffff  }
0x63: {  	v55 =	vadd.s32 $0x800, v0;
	_ =	sdelay $0x3  }
0x64: {  	[tilespmem:s23+$0x180] =	vst v1  }
0x65: {  	v1 =	vld.idx.msk [tilespmem:v55+s7+$0x0], $0xffff  }
0x66: {  	v56 =	vadd.s32 $0xA00, v0;
	_ =	sdelay $0x1  }
0x67: {  	s24 =	sadd.s32 $0x20, s19  }
0x68: {  	s25 =	sor.u32 $0x200, s24  }
0x69: {  	[tilespmem:s25+$0x1400] =	vst v1  }
0x6a: {  	v1 =	vld.idx.msk [tilespmem:v56+s7+$0x0], $0xffff  }
0x6b: {  	v57 =	vadd.s32 $0xC00, v0;
	_ =	sdelay $0x2  }
0x6c: {  	s26 =	sor.u32 $0x280, s24  }
0x6d: {  	[tilespmem:s26+$0x1400] =	vst v1  }
0x6e: {  	v1 =	vld.idx.msk [tilespmem:v57+s7+$0x0], $0xffff  }
0x6f: {  	v0 =	vadd.s32 $0xE00, v0;
	_ =	sdelay $0x2  }
0x70: {  	s28 =	sor.u32 $0x300, s24  }
0x71: {  	[tilespmem:s28+$0x1400] =	vst v1  }
0x72: {  	v0 =	vld.idx.msk [tilespmem:v0+s7+$0x0], $0xffff;
	_ =	sdelay $0x3  }
0x73: {  	s20 =	sor.u32 $0x30, s20;
	s22 =	sor.u32 $0x380, s24  }
0x74: {  	s21 =	sor.u32 s20, s21;
	[tilespmem:s22+$0x1400] =	vst v0  }
0x75: {  	v0 =	vld [tilespmem:s21+$0x0];
	_ =	sdelay $0x7  }
0x76: {  	v1 =	vld.idx.msk [tilespmem:v0+s7+$0x0], $0xffff  }
0x77: {  	v58 =	vadd.s32 $0x200, v0;
	_ =	sdelay $0x2  }
0x78: {  	s18 =	sor.u32 s20, s18  }
0x79: {  	[tilespmem:s18+$0x0] =	vst v1  }
0x7a: {  	v1 =	vld.idx.msk [tilespmem:v58+s7+$0x0], $0xffff  }
0x7b: {  	v59 =	vadd.s32 $0x400, v0;
	_ =	sdelay $0x3  }
0x7c: {  	[tilespmem:s18+$0x80] =	vst v1  }
0x7d: {  	v1 =	vld.idx.msk [tilespmem:v59+s7+$0x0], $0xffff  }
0x7e: {  	v60 =	vadd.s32 $0x600, v0;
	_ =	sdelay $0x3  }
0x7f: {  	[tilespmem:s18+$0x100] =	vst v1  }
0x80: {  	v1 =	vld.idx.msk [tilespmem:v60+s7+$0x0], $0xffff  }
0x81: {  	v61 =	vadd.s32 $0x800, v0;
	_ =	sdelay $0x3  }
0x82: {  	[tilespmem:s18+$0x180] =	vst v1  }
0x83: {  	v1 =	vld.idx.msk [tilespmem:v61+s7+$0x0], $0xffff  }
0x84: {  	v62 =	vadd.s32 $0xA00, v0;
	_ =	sdelay $0x1  }
0x85: {  	s29 =	sadd.s32 $0x30, s19  }
0x86: {  	s19 =	sor.u32 $0x200, s29  }
0x87: {  	[tilespmem:s19+$0x1400] =	vst v1  }
0x88: {  	v1 =	vld.idx.msk [tilespmem:v62+s7+$0x0], $0xffff  }
0x89: {  	v63 =	vadd.s32 $0xC00, v0;
	_ =	sdelay $0x2  }
0x8a: {  	s30 =	sor.u32 $0x280, s29  }
0x8b: {  	[tilespmem:s30+$0x1400] =	vst v1  }
0x8c: {  	v1 =	vld.idx.msk [tilespmem:v63+s7+$0x0], $0xffff  }
0x8d: {  	v0 =	vadd.s32 $0xE00, v0;
	_ =	sdelay $0x2  }
0x8e: {  	s31 =	sor.u32 $0x300, s29  }
0x8f: {  	[tilespmem:s31+$0x1400] =	vst v1  }
0x90: {  	p1 =	sne.s32 s17, $0x1E00;
	v0 =	vld.idx.msk [tilespmem:v0+s7+$0x0], $0xffff  }
.Ltmp0:
0x91: {  	_ = 	snop;
	(pc) =	sbr.rel @p1 .LBB2_2-.Ltmp0, $3  }
0x92: {  	_ =	sdelay $0x1  }
0x93: {  	s15 =	sadd.s32 $0x40, s15;
	s18 =	sor.u32 $0x380, s29  }
0x94: {  	p0 =	por !p0, !p0;
	s17 =	sadd.s32 $0x200, s17;
	s16 =	sadd.s32 $0x40, s16;
	[tilespmem:s18+$0x1400] =	vst v0  }
0x95: {  	s14 =	sadd.s32 $0x1, s14  }
0x96: {  	p0 =	sne.s32 s14, s6  }
.Ltmp1:
0x97: {  	_ = 	snop;
	(pc) =	sbr.rel @p0 .LBB2_1-.Ltmp1, $4  }
0x98: {  	[hbm4b:s5+s2] =	stream.linear.scatter [tilespmem:s12], [sflag:$0x3], $0x2000, $0x38;
	[tilespmem:$0x3400] =	vst v63  }
0x99: {  	_ =	swait.ge [sflag:s13], $0x2000  }
0x9a: {  	[sflag:s13] =	ssyncset.done $0x0  }
0x9b: {  	[sflag:s13] =	ssyncadd.s32 $0xFFFFE000  }
0x9c: {  	_ =	sfence.sel $0x180000  }
0x9d: {  	[bflag:$0x0] =	sbarrier.arrive $0xFFFF  }
0x9e: {  	p0 =	sne.s32 s1, $0x0;
	_ =	strace $0x90000047  }
0x9f: {  	s0 =	sadd.s32 @!p0 $0x100000, s0;
	[bflag:$0x2] =	sbarrier.arrive $0xFFFF  }
0xa0: {  	[sflag:s0] =	ssyncadd.tile.s32 @!p0 $0x1;
	_ =	shalt  }
.Lfunc_end2:
_tile_overlayer_lowered:
.L_overlay_start_2:
0xa1: {  	(tag) =	ssettag $0x2  }
0xa2: {  	s0 =	rddreg [dreg:$0x0];
	s2 =	stileid.u32  }
0xa3: {  	s1 =	rddreg [dreg:$0x1];
	p0 =	sne.s32 s2, $0x0  }
0xa4: {  	s3 =	rddreg [dreg:$0x2];
	[bflag:$0x3] =	sbarrier.arrive $0xFFFF;
	s2 =	simm.s32 @!p0 $0x1C03  }
0xa5: {  	[timem:s3], [sflag:s2] =	dma.local @!p0 [hbm:s0], s1  }
0xa6: {  	s0 =	simm.s32 @!p0 $0x3  }
0xa7: {  	_ =	swait.ge @!p0 [sflag:s0], s1  }
0xa8: {  	s1 =	ssub.s32 @!p0 $0x0, s1;
	[sflag:s0] =	ssyncset.done @!p0 $0x0  }
0xa9: {  	[sflag:s0] =	ssyncadd.s32 @!p0 s1  }
0xaa: {  	[bflag:$0x3] =	sbarrier.arrive $0xFFFF  }
0xab: {  	_ =	shalt  }

</sc_bundles>
